<compile_context>
chip_gen: v7x
topology: tpu7x:2x2x1
jax: 0.10.2.dev20260603
libtpu: 0.0.44.dev20260713+nightly
codegen_flags: <defaults>
</compile_context>

<pallas_src>
import jax
import jax.numpy as jnp
from jax import lax
from jax.experimental import pallas as pl
from jax.experimental.pallas import tpu as pltpu
from jax.experimental.pallas import tpu_sc as plsc

BOHR = 0.52917721067
DAMPING_PARAM = 0.7

NC, NS, L = 2, 16, 16
NW = NC * NS
B = 800
NVEC = B // L


def _table_body(pol_ref, q_ref, out_ref):
    pol = pol_ref[...]
    q = q_ref[...]
    a = jnp.exp(jnp.log(pol) * (-1.0 / 6.0))
    a16 = lax.bitcast_convert_type(a.astype(jnp.bfloat16), jnp.uint16).astype(jnp.int32)
    q16 = lax.bitcast_convert_type(q.astype(jnp.bfloat16), jnp.uint16).astype(jnp.int32)
    out_ref[...] = lax.bitwise_or(lax.shift_left(q16, 16), a16)


def _add_body(p_ref, out_ref):
    out_ref[...] = p_ref[0] + p_ref[1]


def _make_sc_body(tpad, npad, ew):
    nblk = ew // B
    rpt = (npad // NS) * 3

    def _sc_body(tab_hbm, src_hbm, dst_hbm, dist_hbm, vx_hbm, vy_hbm,
                 vz_hbm, zeros_hbm, out_hbm, tab_v,
                 srcA, dstA, distA, vxA, vyA, vzA,
                 srcB, dstB, distB, vxB, vyB, vzB,
                 ex_v, ey_v, ez_v, semA, semB,
                 acc_x, acc_y, acc_z):
        cid = lax.axis_index("c")
        sid = lax.axis_index("s")
        wid = sid * NC + cid

        pltpu.sync_copy(tab_hbm, tab_v)
        zpt = npad // NS
        pltpu.sync_copy(zeros_hbm.at[pl.ds(sid * zpt, zpt)],
                        acc_x.at[pl.ds(sid * zpt, zpt)])
        pltpu.sync_copy(zeros_hbm.at[pl.ds(sid * zpt, zpt)],
                        acc_y.at[pl.ds(sid * zpt, zpt)])
        pltpu.sync_copy(zeros_hbm.at[pl.ds(sid * zpt, zpt)],
                        acc_z.at[pl.ds(sid * zpt, zpt)])
        plsc.subcore_barrier()

        lanes = lax.iota(jnp.int32, L)
        neg_bohr2 = -(BOHR * BOHR)
        base = wid * ew

        def issue6(blk, bufs, sem):
            off = base + blk * B
            ds_ = []
            ds_.append(pltpu.async_copy(src_hbm.at[pl.ds(off, B)], bufs[0], sem))
            ds_.append(pltpu.async_copy(dst_hbm.at[pl.ds(off, B)], bufs[1], sem))
            ds_.append(pltpu.async_copy(dist_hbm.at[pl.ds(off, B)], bufs[2], sem))
            ds_.append(pltpu.async_copy(vx_hbm.at[pl.ds(off, B)], bufs[3], sem))
            ds_.append(pltpu.async_copy(vy_hbm.at[pl.ds(off, B)], bufs[4], sem))
            ds_.append(pltpu.async_copy(vz_hbm.at[pl.ds(off, B)], bufs[5], sem))
            return ds_

        def drain6(bufs, sem):
            for ref in bufs:
                pltpu.make_async_copy(src_hbm.at[pl.ds(0, B)], ref, sem).wait()

        def compute_block(bufs):
            src_v, dst_v, dist_v, vx_v, vy_v, vz_v = bufs

            def vec_body(j):
                s_i = src_v[pl.ds(j * L, L)]
                d_i = dst_v[pl.ds(j * L, L)]
                ws = plsc.load_gather(tab_v, [s_i])
                wd = plsc.load_gather(tab_v, [d_i])
                a_s = plsc.bitcast(lax.shift_left(ws, 16), jnp.float32)
                a_d = plsc.bitcast(lax.shift_left(wd, 16), jnp.float32)
                q_d = plsc.bitcast(lax.bitwise_and(wd, jnp.int32(-65536)),
                                   jnp.float32)
                r = dist_v[pl.ds(j * L, L)]
                u = r * (a_s * a_d)
                y = plsc.bitcast(
                    jnp.int32(0x5F3759DF)
                    - lax.shift_right_logical(plsc.bitcast(u, jnp.int32), 1),
                    jnp.float32)
                uh = 0.5 * u
                y = y * (1.5 - uh * y * y)
                y = y * (1.5 - uh * y * y)
                t = u * u * y
                damp = 1.0 - jnp.exp((-DAMPING_PARAM) * t)
                coef = (q_d * damp) * neg_bohr2 / (r * r * r)
                ex_v[pl.ds(j * L, L)] = coef * vx_v[pl.ds(j * L, L)]
                ey_v[pl.ds(j * L, L)] = coef * vy_v[pl.ds(j * L, L)]
                ez_v[pl.ds(j * L, L)] = coef * vz_v[pl.ds(j * L, L)]

            plsc.parallel_loop(0, NVEC, unroll=4)(vec_body)
            pltpu.sync_copy(ex_v, acc_x.at[src_v], add=True)
            pltpu.sync_copy(ey_v, acc_y.at[src_v], add=True)
            pltpu.sync_copy(ez_v, acc_z.at[src_v], add=True)

        bufsA = (srcA, dstA, distA, vxA, vyA, vzA)
        bufsB = (srcB, dstB, distB, vxB, vyB, vzB)

        issue6(0, bufsA, semA)

        def pair_body(i, carry):
            k = 2 * i
            drain6(bufsA, semA)
            issue6(k + 1, bufsB, semB)
            compute_block(bufsA)

            drain6(bufsB, semB)

            @pl.when(k + 2 < nblk)
            def _():
                issue6(k + 2, bufsA, semA)

            compute_block(bufsB)
            return carry

        lax.fori_loop(0, nblk // 2, pair_body, 0)
        plsc.subcore_barrier()
        pltpu.sync_copy(acc_x.at[pl.ds(sid * zpt, zpt)],
                        out_hbm.at[pl.ds(cid * npad * 3 + sid * zpt, zpt)])
        pltpu.sync_copy(acc_y.at[pl.ds(sid * zpt, zpt)],
                        out_hbm.at[pl.ds(cid * npad * 3 + npad + sid * zpt, zpt)])
        pltpu.sync_copy(acc_z.at[pl.ds(sid * zpt, zpt)],
                        out_hbm.at[pl.ds(cid * npad * 3 + 2 * npad + sid * zpt, zpt)])

    return _sc_body


def kernel(species, edge_src, edge_dst, distances, vec, polarizability, charges):
    n_nodes = species.shape[0]
    n_edges = edge_src.shape[0]
    ew = n_edges // NW
    npad = ((n_nodes + 8 * NS - 1) // (8 * NS)) * (8 * NS)
    tpad = ((n_nodes + 127) // 128) * 128

    pol_p = jnp.pad(polarizability, (0, tpad - n_nodes), constant_values=1.0)
    q_p = jnp.pad(charges, (0, tpad - n_nodes))
    tab = pl.pallas_call(
        _table_body,
        out_shape=jax.ShapeDtypeStruct((tpad // 128, 128), jnp.int32),
    )(pol_p.reshape(tpad // 128, 128), q_p.reshape(tpad // 128, 128))
    tab = tab.reshape(tpad)

    zeros = jnp.zeros((npad,), jnp.float32)

    mesh = plsc.VectorSubcoreMesh(core_axis_name="c", subcore_axis_name="s",
                                  num_cores=NC, num_subcores=NS)
    sc_fn = pl.kernel(
        _make_sc_body(tpad, npad, ew),
        out_type=jax.ShapeDtypeStruct((NC * npad * 3,), jnp.float32),
        mesh=mesh,
        compiler_params=pltpu.CompilerParams(needs_layout_passes=False,
                                             use_tc_tiling_on_sc=False),
        scratch_types=[
            pltpu.VMEM((tpad,), jnp.int32),
            pltpu.VMEM((B,), jnp.int32),
            pltpu.VMEM((B,), jnp.int32),
            pltpu.VMEM((B,), jnp.float32),
            pltpu.VMEM((B,), jnp.float32),
            pltpu.VMEM((B,), jnp.float32),
            pltpu.VMEM((B,), jnp.float32),
            pltpu.VMEM((B,), jnp.int32),
            pltpu.VMEM((B,), jnp.int32),
            pltpu.VMEM((B,), jnp.float32),
            pltpu.VMEM((B,), jnp.float32),
            pltpu.VMEM((B,), jnp.float32),
            pltpu.VMEM((B,), jnp.float32),
            pltpu.VMEM((B,), jnp.float32),
            pltpu.VMEM((B,), jnp.float32),
            pltpu.VMEM((B,), jnp.float32),
            pltpu.SemaphoreType.DMA,
            pltpu.SemaphoreType.DMA,
            pltpu.VMEM_SHARED((npad,), jnp.float32),
            pltpu.VMEM_SHARED((npad,), jnp.float32),
            pltpu.VMEM_SHARED((npad,), jnp.float32),
        ],
    )
    partial = sc_fn(tab, edge_src, edge_dst, distances,
                    vec[:, 0], vec[:, 1], vec[:, 2], zeros)

    p = partial.reshape(NC, 3, npad)[:, :, :n_nodes]
    out = pl.pallas_call(
        _add_body,
        out_shape=jax.ShapeDtypeStruct((3, n_nodes), jnp.float32),
    )(p)
    return jnp.swapaxes(out, 0, 1).reshape(n_nodes * 3)

# --- scband reference (transcript-rebuilt; emitter-appended) ---
"""Pipeline reference for scband-electric-field-76630806495790 (READ-ONLY COPY).

The authoritative reference and input builder live on the scoring server;
editing this copy changes nothing except your own understanding.
"""

import jax, jax.numpy as jnp
import numpy as np

BOHR = 0.52917721067
DAMPING_PARAM = 0.7
N_NODES = 100000
N_EDGES = 6400000


def setup_inputs(seed: int = 0) -> dict:
    key = jax.random.key(seed)
    k1, k2, k3, k4, k5, k6, k7 = jax.random.split(key, 7)
    species = jax.random.randint(k1, (N_NODES,), 0, 50, dtype=jnp.int64 if jax.config.jax_enable_x64 else jnp.int32)
    edge_src = jax.random.randint(k2, (N_EDGES,), 0, N_NODES)
    edge_dst = jax.random.randint(k3, (N_EDGES,), 0, N_NODES)
    # realistic interatomic distances in Angstrom: uniform in [1.0, 6.0)
    distances = 1.0 + 5.0 * jax.random.uniform(k4, (N_EDGES,), dtype=jnp.float32)
    vec = jax.random.normal(k5, (N_EDGES, 3), dtype=jnp.float32)
    # positive polarizabilities in [0.5, 2.5) Angstrom^3
    polarizability = 0.5 + 2.0 * jax.random.uniform(k6, (N_NODES,), dtype=jnp.float32)
    charges = jax.random.normal(k7, (N_NODES,), dtype=jnp.float32)
    return {
        'species': species,
        'edge_src': edge_src,
        'edge_dst': edge_dst,
        'distances': distances,
        'vec': vec,
        'polarizability': polarizability,
        'charges': charges,
    }


def reference(species, edge_src, edge_dst, distances, vec, polarizability, charges):
    rij = distances / BOHR
    vec_ij = vec / BOHR
    pol = polarizability / BOHR ** 3
    pol_src = pol[edge_src]
    pol_dst = pol[edge_dst]
    alpha_ij = pol_dst * pol_src
    uij = rij / alpha_ij ** (1.0 / 6.0)
    rij = rij[:, None]
    q_ij = charges[edge_dst, None]
    damping_field = 1.0 - jnp.exp(-DAMPING_PARAM * uij ** 1.5)[:, None]
    eij = -q_ij * (vec_ij / rij ** 3) * damping_field
    electric_field = jax.ops.segment_sum(eij, edge_src, species.shape[0]).flatten()
    return electric_field

if __name__ == "__main__":
    import jax
    _d = setup_inputs()
    print(jax.jit(kernel)(*tuple(_d.values())))

</pallas_src>

<mosaic_0001>
#map = affine_map<(d0, d1) -> (0)>
module attributes {stable_mosaic.version = 14 : i64} {
  func.func @_sc_body(%arg0: i32, %arg1: i32, %arg2: memref<100096xi32, #tpu.memory_space<hbm>>, %arg3: memref<6400000xi32, #tpu.memory_space<hbm>>, %arg4: memref<6400000xi32, #tpu.memory_space<hbm>>, %arg5: memref<6400000xf32, #tpu.memory_space<hbm>>, %arg6: memref<6400000xf32, #tpu.memory_space<hbm>>, %arg7: memref<6400000xf32, #tpu.memory_space<hbm>>, %arg8: memref<6400000xf32, #tpu.memory_space<hbm>>, %arg9: memref<100096xf32, #tpu.memory_space<hbm>>, %arg10: memref<600576xf32, #tpu.memory_space<hbm>>, %arg11: memref<100096xi32, #tpu.memory_space<vmem>>, %arg12: memref<800xi32, #tpu.memory_space<vmem>>, %arg13: memref<800xi32, #tpu.memory_space<vmem>>, %arg14: memref<800xf32, #tpu.memory_space<vmem>>, %arg15: memref<800xf32, #tpu.memory_space<vmem>>, %arg16: memref<800xf32, #tpu.memory_space<vmem>>, %arg17: memref<800xf32, #tpu.memory_space<vmem>>, %arg18: memref<800xi32, #tpu.memory_space<vmem>>, %arg19: memref<800xi32, #tpu.memory_space<vmem>>, %arg20: memref<800xf32, #tpu.memory_space<vmem>>, %arg21: memref<800xf32, #tpu.memory_space<vmem>>, %arg22: memref<800xf32, #tpu.memory_space<vmem>>, %arg23: memref<800xf32, #tpu.memory_space<vmem>>, %arg24: memref<800xf32, #tpu.memory_space<vmem>>, %arg25: memref<800xf32, #tpu.memory_space<vmem>>, %arg26: memref<800xf32, #tpu.memory_space<vmem>>, %arg27: memref<!tpu.dma_semaphore, #tpu.memory_space<semaphore_mem>>, %arg28: memref<!tpu.dma_semaphore, #tpu.memory_space<semaphore_mem>>, %arg29: memref<100096xf32, #tpu.memory_space<vmem_shared>>, %arg30: memref<100096xf32, #tpu.memory_space<vmem_shared>>, %arg31: memref<100096xf32, #tpu.memory_space<vmem_shared>>) attributes {dimension_semantics = [#tpu.dimension_semantics<core_parallel>, #tpu.dimension_semantics<subcore_parallel>], iteration_bounds = array<i64: 2, 16>, scalar_prefetch = 0 : i64, scratch_operands = 21 : i64, tpu.core_type = #tpu.core_type<sc_vector_subcore>, window_params = [{transform_indices = #map}, {transform_indices = #map}, {transform_indices = #map}, {transform_indices = #map}, {transform_indices = #map}, {transform_indices = #map}, {transform_indices = #map}, {transform_indices = #map}, {transform_indices = #map}]} {
    %mul3A = arith.constant 2 : i32
    %mul3A_0 = arith.muli %arg1, %mul3A : i32
    %add3A = arith.addi %mul3A_0, %arg0 : i32
    "tpu.region"() ({
      %run_scoped3A = tpu.sem_alloc : memref<!tpu.dma_semaphore, #tpu.memory_space<semaphore_mem>>
      tpu.enqueue_dma source(%arg2 : memref<100096xi32, #tpu.memory_space<hbm>>) target(%arg11 : memref<100096xi32, #tpu.memory_space<vmem>>) target_semaphore(%run_scoped3A : memref<!tpu.dma_semaphore, #tpu.memory_space<semaphore_mem>>)
      tpu.wait_dma2 semaphore(%run_scoped3A : memref<!tpu.dma_semaphore, #tpu.memory_space<semaphore_mem>>) src(%arg2 : memref<100096xi32, #tpu.memory_space<hbm>>) dst(%arg11 : memref<100096xi32, #tpu.memory_space<vmem>>)
      tpu.yield
    }) : () -> ()
    %mul3A_1 = arith.constant 6256 : i32
    %mul3A_2 = arith.muli %arg1, %mul3A_1 : i32
    %mul3A_3 = arith.constant 6256 : i32
    %mul3A_4 = arith.muli %arg1, %mul3A_3 : i32
    "tpu.region"() ({
      %run_scoped3A = tpu.sem_alloc : memref<!tpu.dma_semaphore, #tpu.memory_space<semaphore_mem>>
      %dma_start3A_65 = tpu.memref_slice %arg29[%mul3A_4] : memref<100096xf32, #tpu.memory_space<vmem_shared>> -> memref<6256xf32, #tpu.memory_space<vmem_shared>>
      %dma_start3A_66 = tpu.memref_slice %arg9[%mul3A_2] : memref<100096xf32, #tpu.memory_space<hbm>> -> memref<6256xf32, #tpu.memory_space<hbm>>
      tpu.enqueue_dma source(%dma_start3A_66 : memref<6256xf32, #tpu.memory_space<hbm>>) target(%dma_start3A_65 : memref<6256xf32, #tpu.memory_space<vmem_shared>>) target_semaphore(%run_scoped3A : memref<!tpu.dma_semaphore, #tpu.memory_space<semaphore_mem>>)
      %dma_wait3A = tpu.memref_slice %arg29[%mul3A_4] : memref<100096xf32, #tpu.memory_space<vmem_shared>> -> memref<6256xf32, #tpu.memory_space<vmem_shared>>
      %dma_wait3A_67 = tpu.memref_slice %arg9[%mul3A_2] : memref<100096xf32, #tpu.memory_space<hbm>> -> memref<6256xf32, #tpu.memory_space<hbm>>
      tpu.wait_dma2 semaphore(%run_scoped3A : memref<!tpu.dma_semaphore, #tpu.memory_space<semaphore_mem>>) src(%dma_wait3A_67 : memref<6256xf32, #tpu.memory_space<hbm>>) dst(%dma_wait3A : memref<6256xf32, #tpu.memory_space<vmem_shared>>)
      tpu.yield
    }) : () -> ()
    %mul3A_5 = arith.constant 6256 : i32
    %mul3A_6 = arith.muli %arg1, %mul3A_5 : i32
    %mul3A_7 = arith.constant 6256 : i32
    %mul3A_8 = arith.muli %arg1, %mul3A_7 : i32
    "tpu.region"() ({
      %run_scoped3A = tpu.sem_alloc : memref<!tpu.dma_semaphore, #tpu.memory_space<semaphore_mem>>
      %dma_start3A_65 = tpu.memref_slice %arg30[%mul3A_8] : memref<100096xf32, #tpu.memory_space<vmem_shared>> -> memref<6256xf32, #tpu.memory_space<vmem_shared>>
      %dma_start3A_66 = tpu.memref_slice %arg9[%mul3A_6] : memref<100096xf32, #tpu.memory_space<hbm>> -> memref<6256xf32, #tpu.memory_space<hbm>>
      tpu.enqueue_dma source(%dma_start3A_66 : memref<6256xf32, #tpu.memory_space<hbm>>) target(%dma_start3A_65 : memref<6256xf32, #tpu.memory_space<vmem_shared>>) target_semaphore(%run_scoped3A : memref<!tpu.dma_semaphore, #tpu.memory_space<semaphore_mem>>)
      %dma_wait3A = tpu.memref_slice %arg30[%mul3A_8] : memref<100096xf32, #tpu.memory_space<vmem_shared>> -> memref<6256xf32, #tpu.memory_space<vmem_shared>>
      %dma_wait3A_67 = tpu.memref_slice %arg9[%mul3A_6] : memref<100096xf32, #tpu.memory_space<hbm>> -> memref<6256xf32, #tpu.memory_space<hbm>>
      tpu.wait_dma2 semaphore(%run_scoped3A : memref<!tpu.dma_semaphore, #tpu.memory_space<semaphore_mem>>) src(%dma_wait3A_67 : memref<6256xf32, #tpu.memory_space<hbm>>) dst(%dma_wait3A : memref<6256xf32, #tpu.memory_space<vmem_shared>>)
      tpu.yield
    }) : () -> ()
    %mul3A_9 = arith.constant 6256 : i32
    %mul3A_10 = arith.muli %arg1, %mul3A_9 : i32
    %mul3A_11 = arith.constant 6256 : i32
    %mul3A_12 = arith.muli %arg1, %mul3A_11 : i32
    "tpu.region"() ({
      %run_scoped3A = tpu.sem_alloc : memref<!tpu.dma_semaphore, #tpu.memory_space<semaphore_mem>>
      %dma_start3A_65 = tpu.memref_slice %arg31[%mul3A_12] : memref<100096xf32, #tpu.memory_space<vmem_shared>> -> memref<6256xf32, #tpu.memory_space<vmem_shared>>
      %dma_start3A_66 = tpu.memref_slice %arg9[%mul3A_10] : memref<100096xf32, #tpu.memory_space<hbm>> -> memref<6256xf32, #tpu.memory_space<hbm>>
      tpu.enqueue_dma source(%dma_start3A_66 : memref<6256xf32, #tpu.memory_space<hbm>>) target(%dma_start3A_65 : memref<6256xf32, #tpu.memory_space<vmem_shared>>) target_semaphore(%run_scoped3A : memref<!tpu.dma_semaphore, #tpu.memory_space<semaphore_mem>>)
      %dma_wait3A = tpu.memref_slice %arg31[%mul3A_12] : memref<100096xf32, #tpu.memory_space<vmem_shared>> -> memref<6256xf32, #tpu.memory_space<vmem_shared>>
      %dma_wait3A_67 = tpu.memref_slice %arg9[%mul3A_10] : memref<100096xf32, #tpu.memory_space<hbm>> -> memref<6256xf32, #tpu.memory_space<hbm>>
      tpu.wait_dma2 semaphore(%run_scoped3A : memref<!tpu.dma_semaphore, #tpu.memory_space<semaphore_mem>>) src(%dma_wait3A_67 : memref<6256xf32, #tpu.memory_space<hbm>>) dst(%dma_wait3A : memref<6256xf32, #tpu.memory_space<vmem_shared>>)
      tpu.yield
    }) : () -> ()
    %barrier3A = arith.constant 0 : index
    tpu.barrier barrier_id(%barrier3A)
    %iota3A = tpu.iota {dimensions = array<i32: 0>} : vector<16xi32>
    %mul3A_13 = arith.constant 200000 : i32
    %mul3A_14 = arith.muli %add3A, %mul3A_13 : i32
    %add3A_15 = arith.constant 0 : i32
    %add3A_16 = arith.addi %mul3A_14, %add3A_15 : i32
    %dma_start3A = tpu.memref_slice %arg3[%add3A_16] : memref<6400000xi32, #tpu.memory_space<hbm>> -> memref<800xi32, #tpu.memory_space<hbm>>
    %dma_start3A_17 = tpu.memref_slice %arg3[%add3A_16] : memref<6400000xi32, #tpu.memory_space<hbm>> -> memref<800xi32, #tpu.memory_space<hbm>>
    tpu.enqueue_dma source(%dma_start3A_17 : memref<800xi32, #tpu.memory_space<hbm>>) target(%arg12 : memref<800xi32, #tpu.memory_space<vmem>>) target_semaphore(%arg27 : memref<!tpu.dma_semaphore, #tpu.memory_space<semaphore_mem>>)
    %dma_start3A_18 = tpu.memref_slice %arg4[%add3A_16] : memref<6400000xi32, #tpu.memory_space<hbm>> -> memref<800xi32, #tpu.memory_space<hbm>>
    %dma_start3A_19 = tpu.memref_slice %arg4[%add3A_16] : memref<6400000xi32, #tpu.memory_space<hbm>> -> memref<800xi32, #tpu.memory_space<hbm>>
    tpu.enqueue_dma source(%dma_start3A_19 : memref<800xi32, #tpu.memory_space<hbm>>) target(%arg13 : memref<800xi32, #tpu.memory_space<vmem>>) target_semaphore(%arg27 : memref<!tpu.dma_semaphore, #tpu.memory_space<semaphore_mem>>)
    %dma_start3A_20 = tpu.memref_slice %arg5[%add3A_16] : memref<6400000xf32, #tpu.memory_space<hbm>> -> memref<800xf32, #tpu.memory_space<hbm>>
    %dma_start3A_21 = tpu.memref_slice %arg5[%add3A_16] : memref<6400000xf32, #tpu.memory_space<hbm>> -> memref<800xf32, #tpu.memory_space<hbm>>
    tpu.enqueue_dma source(%dma_start3A_21 : memref<800xf32, #tpu.memory_space<hbm>>) target(%arg14 : memref<800xf32, #tpu.memory_space<vmem>>) target_semaphore(%arg27 : memref<!tpu.dma_semaphore, #tpu.memory_space<semaphore_mem>>)
    %dma_start3A_22 = tpu.memref_slice %arg6[%add3A_16] : memref<6400000xf32, #tpu.memory_space<hbm>> -> memref<800xf32, #tpu.memory_space<hbm>>
    %dma_start3A_23 = tpu.memref_slice %arg6[%add3A_16] : memref<6400000xf32, #tpu.memory_space<hbm>> -> memref<800xf32, #tpu.memory_space<hbm>>
    tpu.enqueue_dma source(%dma_start3A_23 : memref<800xf32, #tpu.memory_space<hbm>>) target(%arg15 : memref<800xf32, #tpu.memory_space<vmem>>) target_semaphore(%arg27 : memref<!tpu.dma_semaphore, #tpu.memory_space<semaphore_mem>>)
    %dma_start3A_24 = tpu.memref_slice %arg7[%add3A_16] : memref<6400000xf32, #tpu.memory_space<hbm>> -> memref<800xf32, #tpu.memory_space<hbm>>
    %dma_start3A_25 = tpu.memref_slice %arg7[%add3A_16] : memref<6400000xf32, #tpu.memory_space<hbm>> -> memref<800xf32, #tpu.memory_space<hbm>>
    tpu.enqueue_dma source(%dma_start3A_25 : memref<800xf32, #tpu.memory_space<hbm>>) target(%arg16 : memref<800xf32, #tpu.memory_space<vmem>>) target_semaphore(%arg27 : memref<!tpu.dma_semaphore, #tpu.memory_space<semaphore_mem>>)
    %dma_start3A_26 = tpu.memref_slice %arg8[%add3A_16] : memref<6400000xf32, #tpu.memory_space<hbm>> -> memref<800xf32, #tpu.memory_space<hbm>>
    %dma_start3A_27 = tpu.memref_slice %arg8[%add3A_16] : memref<6400000xf32, #tpu.memory_space<hbm>> -> memref<800xf32, #tpu.memory_space<hbm>>
    tpu.enqueue_dma source(%dma_start3A_27 : memref<800xf32, #tpu.memory_space<hbm>>) target(%arg17 : memref<800xf32, #tpu.memory_space<vmem>>) target_semaphore(%arg27 : memref<!tpu.dma_semaphore, #tpu.memory_space<semaphore_mem>>)
    %scan3A = arith.constant 0 : i32
    %scan3A_28 = arith.constant 0 : i32
    %scan3A_29 = arith.constant 125 : i32
    %scan3A_30 = arith.addi %scan3A_28, %scan3A_29 : i32
    %scan3A_31 = arith.constant 1 : i32
    scf.for %scan3A_65 = %scan3A_28 to %scan3A_30 step %scan3A_31  : i32 {
      %mul3A_66 = arith.constant 2 : i32
      %mul3A_67 = arith.muli %mul3A_66, %scan3A_65 : i32
      %dma_wait3A = arith.constant 0 : i32
      %dma_wait3A_68 = tpu.memref_slice %arg3[%dma_wait3A] : memref<6400000xi32, #tpu.memory_space<hbm>> -> memref<800xi32, #tpu.memory_space<hbm>>
      %dma_wait3A_69 = arith.constant 0 : i32
      %dma_wait3A_70 = tpu.memref_slice %arg3[%dma_wait3A_69] : memref<6400000xi32, #tpu.memory_space<hbm>> -> memref<800xi32, #tpu.memory_space<hbm>>
      tpu.wait_dma2 semaphore(%arg27 : memref<!tpu.dma_semaphore, #tpu.memory_space<semaphore_mem>>) src(%dma_wait3A_70 : memref<800xi32, #tpu.memory_space<hbm>>) dst(%arg12 : memref<800xi32, #tpu.memory_space<vmem>>)
      %dma_wait3A_71 = arith.constant 0 : i32
      %dma_wait3A_72 = tpu.memref_slice %arg3[%dma_wait3A_71] : memref<6400000xi32, #tpu.memory_space<hbm>> -> memref<800xi32, #tpu.memory_space<hbm>>
      %dma_wait3A_73 = arith.constant 0 : i32
      %dma_wait3A_74 = tpu.memref_slice %arg3[%dma_wait3A_73] : memref<6400000xi32, #tpu.memory_space<hbm>> -> memref<800xi32, #tpu.memory_space<hbm>>
      tpu.wait_dma2 semaphore(%arg27 : memref<!tpu.dma_semaphore, #tpu.memory_space<semaphore_mem>>) src(%dma_wait3A_74 : memref<800xi32, #tpu.memory_space<hbm>>) dst(%arg13 : memref<800xi32, #tpu.memory_space<vmem>>)
      %dma_wait3A_75 = arith.constant 0 : i32
      %dma_wait3A_76 = tpu.memref_slice %arg3[%dma_wait3A_75] : memref<6400000xi32, #tpu.memory_space<hbm>> -> memref<800xi32, #tpu.memory_space<hbm>>
      %dma_wait3A_77 = arith.constant 0 : i32
      %dma_wait3A_78 = tpu.memref_slice %arg3[%dma_wait3A_77] : memref<6400000xi32, #tpu.memory_space<hbm>> -> memref<800xi32, #tpu.memory_space<hbm>>
      tpu.wait_dma2 semaphore(%arg27 : memref<!tpu.dma_semaphore, #tpu.memory_space<semaphore_mem>>) src(%dma_wait3A_78 : memref<800xi32, #tpu.memory_space<hbm>>) dst(%arg14 : memref<800xf32, #tpu.memory_space<vmem>>)
      %dma_wait3A_79 = arith.constant 0 : i32
      %dma_wait3A_80 = tpu.memref_slice %arg3[%dma_wait3A_79] : memref<6400000xi32, #tpu.memory_space<hbm>> -> memref<800xi32, #tpu.memory_space<hbm>>
      %dma_wait3A_81 = arith.constant 0 : i32
      %dma_wait3A_82 = tpu.memref_slice %arg3[%dma_wait3A_81] : memref<6400000xi32, #tpu.memory_space<hbm>> -> memref<800xi32, #tpu.memory_space<hbm>>
      tpu.wait_dma2 semaphore(%arg27 : memref<!tpu.dma_semaphore, #tpu.memory_space<semaphore_mem>>) src(%dma_wait3A_82 : memref<800xi32, #tpu.memory_space<hbm>>) dst(%arg15 : memref<800xf32, #tpu.memory_space<vmem>>)
      %dma_wait3A_83 = arith.constant 0 : i32
      %dma_wait3A_84 = tpu.memref_slice %arg3[%dma_wait3A_83] : memref<6400000xi32, #tpu.memory_space<hbm>> -> memref<800xi32, #tpu.memory_space<hbm>>
      %dma_wait3A_85 = arith.constant 0 : i32
      %dma_wait3A_86 = tpu.memref_slice %arg3[%dma_wait3A_85] : memref<6400000xi32, #tpu.memory_space<hbm>> -> memref<800xi32, #tpu.memory_space<hbm>>
      tpu.wait_dma2 semaphore(%arg27 : memref<!tpu.dma_semaphore, #tpu.memory_space<semaphore_mem>>) src(%dma_wait3A_86 : memref<800xi32, #tpu.memory_space<hbm>>) dst(%arg16 : memref<800xf32, #tpu.memory_space<vmem>>)
      %dma_wait3A_87 = arith.constant 0 : i32
      %dma_wait3A_88 = tpu.memref_slice %arg3[%dma_wait3A_87] : memref<6400000xi32, #tpu.memory_space<hbm>> -> memref<800xi32, #tpu.memory_space<hbm>>
      %dma_wait3A_89 = arith.constant 0 : i32
      %dma_wait3A_90 = tpu.memref_slice %arg3[%dma_wait3A_89] : memref<6400000xi32, #tpu.memory_space<hbm>> -> memref<800xi32, #tpu.memory_space<hbm>>
      tpu.wait_dma2 semaphore(%arg27 : memref<!tpu.dma_semaphore, #tpu.memory_space<semaphore_mem>>) src(%dma_wait3A_90 : memref<800xi32, #tpu.memory_space<hbm>>) dst(%arg17 : memref<800xf32, #tpu.memory_space<vmem>>)
      %add3A_91 = arith.constant 1 : i32
      %add3A_92 = arith.addi %mul3A_67, %add3A_91 : i32
      %mul3A_93 = arith.constant 800 : i32
      %mul3A_94 = arith.muli %add3A_92, %mul3A_93 : i32
      %add3A_95 = arith.addi %mul3A_14, %mul3A_94 : i32
      %dma_start3A_96 = tpu.memref_slice %arg3[%add3A_95] : memref<6400000xi32, #tpu.memory_space<hbm>> -> memref<800xi32, #tpu.memory_space<hbm>>
      %dma_start3A_97 = tpu.memref_slice %arg3[%add3A_95] : memref<6400000xi32, #tpu.memory_space<hbm>> -> memref<800xi32, #tpu.memory_space<hbm>>
      tpu.enqueue_dma source(%dma_start3A_97 : memref<800xi32, #tpu.memory_space<hbm>>) target(%arg18 : memref<800xi32, #tpu.memory_space<vmem>>) target_semaphore(%arg28 : memref<!tpu.dma_semaphore, #tpu.memory_space<semaphore_mem>>)
      %dma_start3A_98 = tpu.memref_slice %arg4[%add3A_95] : memref<6400000xi32, #tpu.memory_space<hbm>> -> memref<800xi32, #tpu.memory_space<hbm>>
      %dma_start3A_99 = tpu.memref_slice %arg4[%add3A_95] : memref<6400000xi32, #tpu.memory_space<hbm>> -> memref<800xi32, #tpu.memory_space<hbm>>
      tpu.enqueue_dma source(%dma_start3A_99 : memref<800xi32, #tpu.memory_space<hbm>>) target(%arg19 : memref<800xi32, #tpu.memory_space<vmem>>) target_semaphore(%arg28 : memref<!tpu.dma_semaphore, #tpu.memory_space<semaphore_mem>>)
      %dma_start3A_100 = tpu.memref_slice %arg5[%add3A_95] : memref<6400000xf32, #tpu.memory_space<hbm>> -> memref<800xf32, #tpu.memory_space<hbm>>
      %dma_start3A_101 = tpu.memref_slice %arg5[%add3A_95] : memref<6400000xf32, #tpu.memory_space<hbm>> -> memref<800xf32, #tpu.memory_space<hbm>>
      tpu.enqueue_dma source(%dma_start3A_101 : memref<800xf32, #tpu.memory_space<hbm>>) target(%arg20 : memref<800xf32, #tpu.memory_space<vmem>>) target_semaphore(%arg28 : memref<!tpu.dma_semaphore, #tpu.memory_space<semaphore_mem>>)
      %dma_start3A_102 = tpu.memref_slice %arg6[%add3A_95] : memref<6400000xf32, #tpu.memory_space<hbm>> -> memref<800xf32, #tpu.memory_space<hbm>>
      %dma_start3A_103 = tpu.memref_slice %arg6[%add3A_95] : memref<6400000xf32, #tpu.memory_space<hbm>> -> memref<800xf32, #tpu.memory_space<hbm>>
      tpu.enqueue_dma source(%dma_start3A_103 : memref<800xf32, #tpu.memory_space<hbm>>) target(%arg21 : memref<800xf32, #tpu.memory_space<vmem>>) target_semaphore(%arg28 : memref<!tpu.dma_semaphore, #tpu.memory_space<semaphore_mem>>)
      %dma_start3A_104 = tpu.memref_slice %arg7[%add3A_95] : memref<6400000xf32, #tpu.memory_space<hbm>> -> memref<800xf32, #tpu.memory_space<hbm>>
      %dma_start3A_105 = tpu.memref_slice %arg7[%add3A_95] : memref<6400000xf32, #tpu.memory_space<hbm>> -> memref<800xf32, #tpu.memory_space<hbm>>
      tpu.enqueue_dma source(%dma_start3A_105 : memref<800xf32, #tpu.memory_space<hbm>>) target(%arg22 : memref<800xf32, #tpu.memory_space<vmem>>) target_semaphore(%arg28 : memref<!tpu.dma_semaphore, #tpu.memory_space<semaphore_mem>>)
      %dma_start3A_106 = tpu.memref_slice %arg8[%add3A_95] : memref<6400000xf32, #tpu.memory_space<hbm>> -> memref<800xf32, #tpu.memory_space<hbm>>
      %dma_start3A_107 = tpu.memref_slice %arg8[%add3A_95] : memref<6400000xf32, #tpu.memory_space<hbm>> -> memref<800xf32, #tpu.memory_space<hbm>>
      tpu.enqueue_dma source(%dma_start3A_107 : memref<800xf32, #tpu.memory_space<hbm>>) target(%arg23 : memref<800xf32, #tpu.memory_space<vmem>>) target_semaphore(%arg28 : memref<!tpu.dma_semaphore, #tpu.memory_space<semaphore_mem>>)
      %parallel_loop3A = arith.constant 0 : i32
      %parallel_loop3A_108 = arith.constant 50 : i32
      %parallel_loop3A_109 = arith.constant 1 : i32
      scf.for %parallel_loop3A_141 = %parallel_loop3A to %parallel_loop3A_108 step %parallel_loop3A_109  : i32 {
        %parallel_loop3A_142 = arith.constant 16 : i32
        %parallel_loop3A_143 = arith.muli %parallel_loop3A_141, %parallel_loop3A_142 : i32
        %parallel_loop3A_144 = arith.index_cast %parallel_loop3A_143 : i32 to index
        %parallel_loop3A_145 = tpu.vector_load %arg12[%parallel_loop3A_144] {strides = array<i32>} : memref<800xi32, #tpu.memory_space<vmem>>, vector<16xi32>,
        %parallel_loop3A_146 = arith.constant 16 : i32
        %parallel_loop3A_147 = arith.muli %parallel_loop3A_141, %parallel_loop3A_146 : i32
        %parallel_loop3A_148 = arith.index_cast %parallel_loop3A_147 : i32 to index
        %parallel_loop3A_149 = tpu.vector_load %arg13[%parallel_loop3A_148] {strides = array<i32>} : memref<800xi32, #tpu.memory_space<vmem>>, vector<16xi32>,
        %parallel_loop3A_150 = tpu.vector_load_idx %arg11[%parallel_loop3A_145] : memref<100096xi32, #tpu.memory_space<vmem>>[vector<16xi32>], vector<16xi32>,
        %parallel_loop3A_151 = tpu.vector_load_idx %arg11[%parallel_loop3A_149] : memref<100096xi32, #tpu.memory_space<vmem>>[vector<16xi32>], vector<16xi32>,
        %parallel_loop3A_152 = arith.constant 16 : i32
        %parallel_loop3A_153 = vector.broadcast %parallel_loop3A_152 : i32 to vector<16xi32>
        %parallel_loop3A_154 = arith.shli %parallel_loop3A_150, %parallel_loop3A_153 : vector<16xi32>
        %parallel_loop3A_155 = vector.bitcast %parallel_loop3A_154 : vector<16xi32> to vector<16xf32>
        %parallel_loop3A_156 = arith.constant 16 : i32
        %parallel_loop3A_157 = vector.broadcast %parallel_loop3A_156 : i32 to vector<16xi32>
        %parallel_loop3A_158 = arith.shli %parallel_loop3A_151, %parallel_loop3A_157 : vector<16xi32>
        %parallel_loop3A_159 = vector.bitcast %parallel_loop3A_158 : vector<16xi32> to vector<16xf32>
        %parallel_loop3A_160 = arith.constant -65536 : i32
        %parallel_loop3A_161 = vector.broadcast %parallel_loop3A_160 : i32 to vector<16xi32>
        %parallel_loop3A_162 = arith.andi %parallel_loop3A_151, %parallel_loop3A_161 : vector<16xi32>
        %parallel_loop3A_163 = vector.bitcast %parallel_loop3A_162 : vector<16xi32> to vector<16xf32>
        %parallel_loop3A_164 = arith.constant 16 : i32
        %parallel_loop3A_165 = arith.muli %parallel_loop3A_141, %parallel_loop3A_164 : i32
        %parallel_loop3A_166 = arith.index_cast %parallel_loop3A_165 : i32 to index
        %parallel_loop3A_167 = tpu.vector_load %arg14[%parallel_loop3A_166] {strides = array<i32>} : memref<800xf32, #tpu.memory_space<vmem>>, vector<16xf32>,
        %parallel_loop3A_168 = arith.mulf %parallel_loop3A_155, %parallel_loop3A_159 : vector<16xf32>
        %parallel_loop3A_169 = arith.mulf %parallel_loop3A_167, %parallel_loop3A_168 : vector<16xf32>
        %parallel_loop3A_170 = vector.bitcast %parallel_loop3A_169 : vector<16xf32> to vector<16xi32>
        %parallel_loop3A_171 = arith.constant 1 : i32
        %parallel_loop3A_172 = vector.broadcast %parallel_loop3A_171 : i32 to vector<16xi32>
        %parallel_loop3A_173 = arith.shrui %parallel_loop3A_170, %parallel_loop3A_172 : vector<16xi32>
        %parallel_loop3A_174 = arith.constant 1597463007 : i32
        %parallel_loop3A_175 = vector.broadcast %parallel_loop3A_174 : i32 to vector<16xi32>
        %parallel_loop3A_176 = arith.subi %parallel_loop3A_175, %parallel_loop3A_173 : vector<16xi32>
        %parallel_loop3A_177 = vector.bitcast %parallel_loop3A_176 : vector<16xi32> to vector<16xf32>
        %parallel_loop3A_178 = arith.constant 5.000000e-01 : f32
        %parallel_loop3A_179 = vector.broadcast %parallel_loop3A_178 : f32 to vector<16xf32>
        %parallel_loop3A_180 = arith.mulf %parallel_loop3A_179, %parallel_loop3A_169 : vector<16xf32>
        %parallel_loop3A_181 = arith.mulf %parallel_loop3A_180, %parallel_loop3A_177 : vector<16xf32>
        %parallel_loop3A_182 = arith.mulf %parallel_loop3A_181, %parallel_loop3A_177 : vector<16xf32>
        %parallel_loop3A_183 = arith.constant 1.500000e+00 : f32
        %parallel_loop3A_184 = vector.broadcast %parallel_loop3A_183 : f32 to vector<16xf32>
        %parallel_loop3A_185 = arith.subf %parallel_loop3A_184, %parallel_loop3A_182 : vector<16xf32>
        %parallel_loop3A_186 = arith.mulf %parallel_loop3A_177, %parallel_loop3A_185 : vector<16xf32>
        %parallel_loop3A_187 = arith.mulf %parallel_loop3A_180, %parallel_loop3A_186 : vector<16xf32>
        %parallel_loop3A_188 = arith.mulf %parallel_loop3A_187, %parallel_loop3A_186 : vector<16xf32>
        %parallel_loop3A_189 = arith.constant 1.500000e+00 : f32
        %parallel_loop3A_190 = vector.broadcast %parallel_loop3A_189 : f32 to vector<16xf32>
        %parallel_loop3A_191 = arith.subf %parallel_loop3A_190, %parallel_loop3A_188 : vector<16xf32>
        %parallel_loop3A_192 = arith.mulf %parallel_loop3A_186, %parallel_loop3A_191 : vector<16xf32>
        %parallel_loop3A_193 = arith.mulf %parallel_loop3A_169, %parallel_loop3A_169 : vector<16xf32>
        %parallel_loop3A_194 = arith.mulf %parallel_loop3A_193, %parallel_loop3A_192 : vector<16xf32>
        %parallel_loop3A_195 = arith.constant -0.699999988 : f32
        %parallel_loop3A_196 = vector.broadcast %parallel_loop3A_195 : f32 to vector<16xf32>
        %parallel_loop3A_197 = arith.mulf %parallel_loop3A_196, %parallel_loop3A_194 : vector<16xf32>
        %parallel_loop3A_198 = math.exp %parallel_loop3A_197 : vector<16xf32>
        %parallel_loop3A_199 = arith.constant 1.000000e+00 : f32
        %parallel_loop3A_200 = vector.broadcast %parallel_loop3A_199 : f32 to vector<16xf32>
        %parallel_loop3A_201 = arith.subf %parallel_loop3A_200, %parallel_loop3A_198 : vector<16xf32>
        %parallel_loop3A_202 = arith.mulf %parallel_loop3A_163, %parallel_loop3A_201 : vector<16xf32>
        %parallel_loop3A_203 = arith.constant -0.280028522 : f32
        %parallel_loop3A_204 = vector.broadcast %parallel_loop3A_203 : f32 to vector<16xf32>
        %parallel_loop3A_205 = arith.mulf %parallel_loop3A_202, %parallel_loop3A_204 : vector<16xf32>
        %parallel_loop3A_206 = arith.mulf %parallel_loop3A_167, %parallel_loop3A_167 : vector<16xf32>
        %parallel_loop3A_207 = arith.mulf %parallel_loop3A_206, %parallel_loop3A_167 : vector<16xf32>
        %parallel_loop3A_208 = arith.divf %parallel_loop3A_205, %parallel_loop3A_207 : vector<16xf32>
        %parallel_loop3A_209 = arith.constant 16 : i32
        %parallel_loop3A_210 = arith.muli %parallel_loop3A_141, %parallel_loop3A_209 : i32
        %parallel_loop3A_211 = arith.index_cast %parallel_loop3A_210 : i32 to index
        %parallel_loop3A_212 = tpu.vector_load %arg15[%parallel_loop3A_211] {strides = array<i32>} : memref<800xf32, #tpu.memory_space<vmem>>, vector<16xf32>,
        %parallel_loop3A_213 = arith.mulf %parallel_loop3A_208, %parallel_loop3A_212 : vector<16xf32>
        %parallel_loop3A_214 = arith.constant 16 : i32
        %parallel_loop3A_215 = arith.muli %parallel_loop3A_141, %parallel_loop3A_214 : i32
        %parallel_loop3A_216 = arith.index_cast %parallel_loop3A_215 : i32 to index
        %parallel_loop3A_217 = tpu.vector_load %arg24[%parallel_loop3A_216] {strides = array<i32>} : memref<800xf32, #tpu.memory_space<vmem>>, vector<16xf32>,
        tpu.vector_store %arg24[%parallel_loop3A_216], %parallel_loop3A_213 {strides = array<i32>} : memref<800xf32, #tpu.memory_space<vmem>>, vector<16xf32>,
        %parallel_loop3A_218 = arith.constant 16 : i32
        %parallel_loop3A_219 = arith.muli %parallel_loop3A_141, %parallel_loop3A_218 : i32
        %parallel_loop3A_220 = arith.index_cast %parallel_loop3A_219 : i32 to index
        %parallel_loop3A_221 = tpu.vector_load %arg16[%parallel_loop3A_220] {strides = array<i32>} : memref<800xf32, #tpu.memory_space<vmem>>, vector<16xf32>,
        %parallel_loop3A_222 = arith.mulf %parallel_loop3A_208, %parallel_loop3A_221 : vector<16xf32>
        %parallel_loop3A_223 = arith.constant 16 : i32
        %parallel_loop3A_224 = arith.muli %parallel_loop3A_141, %parallel_loop3A_223 : i32
        %parallel_loop3A_225 = arith.index_cast %parallel_loop3A_224 : i32 to index
        %parallel_loop3A_226 = tpu.vector_load %arg25[%parallel_loop3A_225] {strides = array<i32>} : memref<800xf32, #tpu.memory_space<vmem>>, vector<16xf32>,
        tpu.vector_store %arg25[%parallel_loop3A_225], %parallel_loop3A_222 {strides = array<i32>} : memref<800xf32, #tpu.memory_space<vmem>>, vector<16xf32>,
        %parallel_loop3A_227 = arith.constant 16 : i32
        %parallel_loop3A_228 = arith.muli %parallel_loop3A_141, %parallel_loop3A_227 : i32
        %parallel_loop3A_229 = arith.index_cast %parallel_loop3A_228 : i32 to index
        %parallel_loop3A_230 = tpu.vector_load %arg17[%parallel_loop3A_229] {strides = array<i32>} : memref<800xf32, #tpu.memory_space<vmem>>, vector<16xf32>,
        %parallel_loop3A_231 = arith.mulf %parallel_loop3A_208, %parallel_loop3A_230 : vector<16xf32>
        %parallel_loop3A_232 = arith.constant 16 : i32
        %parallel_loop3A_233 = arith.muli %parallel_loop3A_141, %parallel_loop3A_232 : i32
        %parallel_loop3A_234 = arith.index_cast %parallel_loop3A_233 : i32 to index
        %parallel_loop3A_235 = tpu.vector_load %arg26[%parallel_loop3A_234] {strides = array<i32>} : memref<800xf32, #tpu.memory_space<vmem>>, vector<16xf32>,
        tpu.vector_store %arg26[%parallel_loop3A_234], %parallel_loop3A_231 {strides = array<i32>} : memref<800xf32, #tpu.memory_space<vmem>>, vector<16xf32>,
      } {sc.loop_unroll_factor = 4 : i64, sc.parallel_access}
      "tpu.region"() ({
        %run_scoped3A = tpu.sem_alloc : memref<!tpu.dma_semaphore, #tpu.memory_space<semaphore_mem>>
        %dma_start3A_141 = arith.constant 0 : i32
        %dma_start3A_142 = tpu.memref_slice %arg29[%dma_start3A_141] : memref<100096xf32, #tpu.memory_space<vmem_shared>> -> memref<100096xf32, #tpu.memory_space<vmem_shared>>
        tpu.enqueue_indirect_dma source(%arg24 : memref<800xf32, #tpu.memory_space<vmem>>) target(%dma_start3A_142 : memref<100096xf32, #tpu.memory_space<vmem_shared>>) offsets(%arg12 : memref<800xi32, #tpu.memory_space<vmem>>) semaphore(%run_scoped3A : memref<!tpu.dma_semaphore, #tpu.memory_space<semaphore_mem>>) {add = true}
        %dma_wait3A_143 = arith.constant 0 : i32
        %dma_wait3A_144 = tpu.memref_slice %arg29[%dma_wait3A_143] : memref<100096xf32, #tpu.memory_space<vmem_shared>> -> memref<100096xf32, #tpu.memory_space<vmem_shared>>
        tpu.wait_indirect_dma semaphore(%run_scoped3A : memref<!tpu.dma_semaphore, #tpu.memory_space<semaphore_mem>>) src(%arg24 : memref<800xf32, #tpu.memory_space<vmem>>) dst(%dma_wait3A_144 : memref<100096xf32, #tpu.memory_space<vmem_shared>>)
        tpu.yield
      }) : () -> ()
      "tpu.region"() ({
        %run_scoped3A = tpu.sem_alloc : memref<!tpu.dma_semaphore, #tpu.memory_space<semaphore_mem>>
        %dma_start3A_141 = arith.constant 0 : i32
        %dma_start3A_142 = tpu.memref_slice %arg30[%dma_start3A_141] : memref<100096xf32, #tpu.memory_space<vmem_shared>> -> memref<100096xf32, #tpu.memory_space<vmem_shared>>
        tpu.enqueue_indirect_dma source(%arg25 : memref<800xf32, #tpu.memory_space<vmem>>) target(%dma_start3A_142 : memref<100096xf32, #tpu.memory_space<vmem_shared>>) offsets(%arg12 : memref<800xi32, #tpu.memory_space<vmem>>) semaphore(%run_scoped3A : memref<!tpu.dma_semaphore, #tpu.memory_space<semaphore_mem>>) {add = true}
        %dma_wait3A_143 = arith.constant 0 : i32
        %dma_wait3A_144 = tpu.memref_slice %arg30[%dma_wait3A_143] : memref<100096xf32, #tpu.memory_space<vmem_shared>> -> memref<100096xf32, #tpu.memory_space<vmem_shared>>
        tpu.wait_indirect_dma semaphore(%run_scoped3A : memref<!tpu.dma_semaphore, #tpu.memory_space<semaphore_mem>>) src(%arg25 : memref<800xf32, #tpu.memory_space<vmem>>) dst(%dma_wait3A_144 : memref<100096xf32, #tpu.memory_space<vmem_shared>>)
        tpu.yield
      }) : () -> ()
      "tpu.region"() ({
        %run_scoped3A = tpu.sem_alloc : memref<!tpu.dma_semaphore, #tpu.memory_space<semaphore_mem>>
        %dma_start3A_141 = arith.constant 0 : i32
        %dma_start3A_142 = tpu.memref_slice %arg31[%dma_start3A_141] : memref<100096xf32, #tpu.memory_space<vmem_shared>> -> memref<100096xf32, #tpu.memory_space<vmem_shared>>
        tpu.enqueue_indirect_dma source(%arg26 : memref<800xf32, #tpu.memory_space<vmem>>) target(%dma_start3A_142 : memref<100096xf32, #tpu.memory_space<vmem_shared>>) offsets(%arg12 : memref<800xi32, #tpu.memory_space<vmem>>) semaphore(%run_scoped3A : memref<!tpu.dma_semaphore, #tpu.memory_space<semaphore_mem>>) {add = true}
        %dma_wait3A_143 = arith.constant 0 : i32
        %dma_wait3A_144 = tpu.memref_slice %arg31[%dma_wait3A_143] : memref<100096xf32, #tpu.memory_space<vmem_shared>> -> memref<100096xf32, #tpu.memory_space<vmem_shared>>
        tpu.wait_indirect_dma semaphore(%run_scoped3A : memref<!tpu.dma_semaphore, #tpu.memory_space<semaphore_mem>>) src(%arg26 : memref<800xf32, #tpu.memory_space<vmem>>) dst(%dma_wait3A_144 : memref<100096xf32, #tpu.memory_space<vmem_shared>>)
        tpu.yield
      }) : () -> ()
      %dma_wait3A_110 = arith.constant 0 : i32
      %dma_wait3A_111 = tpu.memref_slice %arg3[%dma_wait3A_110] : memref<6400000xi32, #tpu.memory_space<hbm>> -> memref<800xi32, #tpu.memory_space<hbm>>
      %dma_wait3A_112 = arith.constant 0 : i32
      %dma_wait3A_113 = tpu.memref_slice %arg3[%dma_wait3A_112] : memref<6400000xi32, #tpu.memory_space<hbm>> -> memref<800xi32, #tpu.memory_space<hbm>>
      tpu.wait_dma2 semaphore(%arg28 : memref<!tpu.dma_semaphore, #tpu.memory_space<semaphore_mem>>) src(%dma_wait3A_113 : memref<800xi32, #tpu.memory_space<hbm>>) dst(%arg18 : memref<800xi32, #tpu.memory_space<vmem>>)
      %dma_wait3A_114 = arith.constant 0 : i32
      %dma_wait3A_115 = tpu.memref_slice %arg3[%dma_wait3A_114] : memref<6400000xi32, #tpu.memory_space<hbm>> -> memref<800xi32, #tpu.memory_space<hbm>>
      %dma_wait3A_116 = arith.constant 0 : i32
      %dma_wait3A_117 = tpu.memref_slice %arg3[%dma_wait3A_116] : memref<6400000xi32, #tpu.memory_space<hbm>> -> memref<800xi32, #tpu.memory_space<hbm>>
      tpu.wait_dma2 semaphore(%arg28 : memref<!tpu.dma_semaphore, #tpu.memory_space<semaphore_mem>>) src(%dma_wait3A_117 : memref<800xi32, #tpu.memory_space<hbm>>) dst(%arg19 : memref<800xi32, #tpu.memory_space<vmem>>)
      %dma_wait3A_118 = arith.constant 0 : i32
      %dma_wait3A_119 = tpu.memref_slice %arg3[%dma_wait3A_118] : memref<6400000xi32, #tpu.memory_space<hbm>> -> memref<800xi32, #tpu.memory_space<hbm>>
      %dma_wait3A_120 = arith.constant 0 : i32
      %dma_wait3A_121 = tpu.memref_slice %arg3[%dma_wait3A_120] : memref<6400000xi32, #tpu.memory_space<hbm>> -> memref<800xi32, #tpu.memory_space<hbm>>
      tpu.wait_dma2 semaphore(%arg28 : memref<!tpu.dma_semaphore, #tpu.memory_space<semaphore_mem>>) src(%dma_wait3A_121 : memref<800xi32, #tpu.memory_space<hbm>>) dst(%arg20 : memref<800xf32, #tpu.memory_space<vmem>>)
      %dma_wait3A_122 = arith.constant 0 : i32
      %dma_wait3A_123 = tpu.memref_slice %arg3[%dma_wait3A_122] : memref<6400000xi32, #tpu.memory_space<hbm>> -> memref<800xi32, #tpu.memory_space<hbm>>
      %dma_wait3A_124 = arith.constant 0 : i32
      %dma_wait3A_125 = tpu.memref_slice %arg3[%dma_wait3A_124] : memref<6400000xi32, #tpu.memory_space<hbm>> -> memref<800xi32, #tpu.memory_space<hbm>>
      tpu.wait_dma2 semaphore(%arg28 : memref<!tpu.dma_semaphore, #tpu.memory_space<semaphore_mem>>) src(%dma_wait3A_125 : memref<800xi32, #tpu.memory_space<hbm>>) dst(%arg21 : memref<800xf32, #tpu.memory_space<vmem>>)
      %dma_wait3A_126 = arith.constant 0 : i32
      %dma_wait3A_127 = tpu.memref_slice %arg3[%dma_wait3A_126] : memref<6400000xi32, #tpu.memory_space<hbm>> -> memref<800xi32, #tpu.memory_space<hbm>>
      %dma_wait3A_128 = arith.constant 0 : i32
      %dma_wait3A_129 = tpu.memref_slice %arg3[%dma_wait3A_128] : memref<6400000xi32, #tpu.memory_space<hbm>> -> memref<800xi32, #tpu.memory_space<hbm>>
      tpu.wait_dma2 semaphore(%arg28 : memref<!tpu.dma_semaphore, #tpu.memory_space<semaphore_mem>>) src(%dma_wait3A_129 : memref<800xi32, #tpu.memory_space<hbm>>) dst(%arg22 : memref<800xf32, #tpu.memory_space<vmem>>)
      %dma_wait3A_130 = arith.constant 0 : i32
      %dma_wait3A_131 = tpu.memref_slice %arg3[%dma_wait3A_130] : memref<6400000xi32, #tpu.memory_space<hbm>> -> memref<800xi32, #tpu.memory_space<hbm>>
      %dma_wait3A_132 = arith.constant 0 : i32
      %dma_wait3A_133 = tpu.memref_slice %arg3[%dma_wait3A_132] : memref<6400000xi32, #tpu.memory_space<hbm>> -> memref<800xi32, #tpu.memory_space<hbm>>
      tpu.wait_dma2 semaphore(%arg28 : memref<!tpu.dma_semaphore, #tpu.memory_space<semaphore_mem>>) src(%dma_wait3A_133 : memref<800xi32, #tpu.memory_space<hbm>>) dst(%arg23 : memref<800xf32, #tpu.memory_space<vmem>>)
      %add3A_134 = arith.constant 2 : i32
      %add3A_135 = arith.addi %mul3A_67, %add3A_134 : i32
      %lt3A = arith.constant 250 : i32
      %lt3A_136 = arith.cmpi slt, %add3A_135, %lt3A : i32
      %convert_element_type3A = arith.extui %lt3A_136 : i1 to i32
      %cond3A = arith.constant 0 : i32
      %cond3A_137 = arith.cmpi ne, %convert_element_type3A, %cond3A : i32
      scf.if %cond3A_137 {
        %add3A_141 = arith.constant 2 : i32
        %add3A_142 = arith.addi %mul3A_67, %add3A_141 : i32
        %mul3A_143 = arith.constant 800 : i32
        %mul3A_144 = arith.muli %add3A_142, %mul3A_143 : i32
        %add3A_145 = arith.addi %mul3A_14, %mul3A_144 : i32
        %dma_start3A_146 = tpu.memref_slice %arg3[%add3A_145] : memref<6400000xi32, #tpu.memory_space<hbm>> -> memref<800xi32, #tpu.memory_space<hbm>>
        %dma_start3A_147 = tpu.memref_slice %arg3[%add3A_145] : memref<6400000xi32, #tpu.memory_space<hbm>> -> memref<800xi32, #tpu.memory_space<hbm>>
        tpu.enqueue_dma source(%dma_start3A_147 : memref<800xi32, #tpu.memory_space<hbm>>) target(%arg12 : memref<800xi32, #tpu.memory_space<vmem>>) target_semaphore(%arg27 : memref<!tpu.dma_semaphore, #tpu.memory_space<semaphore_mem>>)
        %dma_start3A_148 = tpu.memref_slice %arg4[%add3A_145] : memref<6400000xi32, #tpu.memory_space<hbm>> -> memref<800xi32, #tpu.memory_space<hbm>>
        %dma_start3A_149 = tpu.memref_slice %arg4[%add3A_145] : memref<6400000xi32, #tpu.memory_space<hbm>> -> memref<800xi32, #tpu.memory_space<hbm>>
        tpu.enqueue_dma source(%dma_start3A_149 : memref<800xi32, #tpu.memory_space<hbm>>) target(%arg13 : memref<800xi32, #tpu.memory_space<vmem>>) target_semaphore(%arg27 : memref<!tpu.dma_semaphore, #tpu.memory_space<semaphore_mem>>)
        %dma_start3A_150 = tpu.memref_slice %arg5[%add3A_145] : memref<6400000xf32, #tpu.memory_space<hbm>> -> memref<800xf32, #tpu.memory_space<hbm>>
        %dma_start3A_151 = tpu.memref_slice %arg5[%add3A_145] : memref<6400000xf32, #tpu.memory_space<hbm>> -> memref<800xf32, #tpu.memory_space<hbm>>
        tpu.enqueue_dma source(%dma_start3A_151 : memref<800xf32, #tpu.memory_space<hbm>>) target(%arg14 : memref<800xf32, #tpu.memory_space<vmem>>) target_semaphore(%arg27 : memref<!tpu.dma_semaphore, #tpu.memory_space<semaphore_mem>>)
        %dma_start3A_152 = tpu.memref_slice %arg6[%add3A_145] : memref<6400000xf32, #tpu.memory_space<hbm>> -> memref<800xf32, #tpu.memory_space<hbm>>
        %dma_start3A_153 = tpu.memref_slice %arg6[%add3A_145] : memref<6400000xf32, #tpu.memory_space<hbm>> -> memref<800xf32, #tpu.memory_space<hbm>>
        tpu.enqueue_dma source(%dma_start3A_153 : memref<800xf32, #tpu.memory_space<hbm>>) target(%arg15 : memref<800xf32, #tpu.memory_space<vmem>>) target_semaphore(%arg27 : memref<!tpu.dma_semaphore, #tpu.memory_space<semaphore_mem>>)
        %dma_start3A_154 = tpu.memref_slice %arg7[%add3A_145] : memref<6400000xf32, #tpu.memory_space<hbm>> -> memref<800xf32, #tpu.memory_space<hbm>>
        %dma_start3A_155 = tpu.memref_slice %arg7[%add3A_145] : memref<6400000xf32, #tpu.memory_space<hbm>> -> memref<800xf32, #tpu.memory_space<hbm>>
        tpu.enqueue_dma source(%dma_start3A_155 : memref<800xf32, #tpu.memory_space<hbm>>) target(%arg16 : memref<800xf32, #tpu.memory_space<vmem>>) target_semaphore(%arg27 : memref<!tpu.dma_semaphore, #tpu.memory_space<semaphore_mem>>)
        %dma_start3A_156 = tpu.memref_slice %arg8[%add3A_145] : memref<6400000xf32, #tpu.memory_space<hbm>> -> memref<800xf32, #tpu.memory_space<hbm>>
        %dma_start3A_157 = tpu.memref_slice %arg8[%add3A_145] : memref<6400000xf32, #tpu.memory_space<hbm>> -> memref<800xf32, #tpu.memory_space<hbm>>
        tpu.enqueue_dma source(%dma_start3A_157 : memref<800xf32, #tpu.memory_space<hbm>>) target(%arg17 : memref<800xf32, #tpu.memory_space<vmem>>) target_semaphore(%arg27 : memref<!tpu.dma_semaphore, #tpu.memory_space<semaphore_mem>>)
      } else {
      }
      %parallel_loop3A_138 = arith.constant 0 : i32
      %parallel_loop3A_139 = arith.constant 50 : i32
      %parallel_loop3A_140 = arith.constant 1 : i32
      scf.for %parallel_loop3A_141 = %parallel_loop3A_138 to %parallel_loop3A_139 step %parallel_loop3A_140  : i32 {
        %parallel_loop3A_142 = arith.constant 16 : i32
        %parallel_loop3A_143 = arith.muli %parallel_loop3A_141, %parallel_loop3A_142 : i32
        %parallel_loop3A_144 = arith.index_cast %parallel_loop3A_143 : i32 to index
        %parallel_loop3A_145 = tpu.vector_load %arg18[%parallel_loop3A_144] {strides = array<i32>} : memref<800xi32, #tpu.memory_space<vmem>>, vector<16xi32>,
        %parallel_loop3A_146 = arith.constant 16 : i32
        %parallel_loop3A_147 = arith.muli %parallel_loop3A_141, %parallel_loop3A_146 : i32
        %parallel_loop3A_148 = arith.index_cast %parallel_loop3A_147 : i32 to index
        %parallel_loop3A_149 = tpu.vector_load %arg19[%parallel_loop3A_148] {strides = array<i32>} : memref<800xi32, #tpu.memory_space<vmem>>, vector<16xi32>,
        %parallel_loop3A_150 = tpu.vector_load_idx %arg11[%parallel_loop3A_145] : memref<100096xi32, #tpu.memory_space<vmem>>[vector<16xi32>], vector<16xi32>,
        %parallel_loop3A_151 = tpu.vector_load_idx %arg11[%parallel_loop3A_149] : memref<100096xi32, #tpu.memory_space<vmem>>[vector<16xi32>], vector<16xi32>,
        %parallel_loop3A_152 = arith.constant 16 : i32
        %parallel_loop3A_153 = vector.broadcast %parallel_loop3A_152 : i32 to vector<16xi32>
        %parallel_loop3A_154 = arith.shli %parallel_loop3A_150, %parallel_loop3A_153 : vector<16xi32>
        %parallel_loop3A_155 = vector.bitcast %parallel_loop3A_154 : vector<16xi32> to vector<16xf32>
        %parallel_loop3A_156 = arith.constant 16 : i32
        %parallel_loop3A_157 = vector.broadcast %parallel_loop3A_156 : i32 to vector<16xi32>
        %parallel_loop3A_158 = arith.shli %parallel_loop3A_151, %parallel_loop3A_157 : vector<16xi32>
        %parallel_loop3A_159 = vector.bitcast %parallel_loop3A_158 : vector<16xi32> to vector<16xf32>
        %parallel_loop3A_160 = arith.constant -65536 : i32
        %parallel_loop3A_161 = vector.broadcast %parallel_loop3A_160 : i32 to vector<16xi32>
        %parallel_loop3A_162 = arith.andi %parallel_loop3A_151, %parallel_loop3A_161 : vector<16xi32>
        %parallel_loop3A_163 = vector.bitcast %parallel_loop3A_162 : vector<16xi32> to vector<16xf32>
        %parallel_loop3A_164 = arith.constant 16 : i32
        %parallel_loop3A_165 = arith.muli %parallel_loop3A_141, %parallel_loop3A_164 : i32
        %parallel_loop3A_166 = arith.index_cast %parallel_loop3A_165 : i32 to index
        %parallel_loop3A_167 = tpu.vector_load %arg20[%parallel_loop3A_166] {strides = array<i32>} : memref<800xf32, #tpu.memory_space<vmem>>, vector<16xf32>,
        %parallel_loop3A_168 = arith.mulf %parallel_loop3A_155, %parallel_loop3A_159 : vector<16xf32>
        %parallel_loop3A_169 = arith.mulf %parallel_loop3A_167, %parallel_loop3A_168 : vector<16xf32>
        %parallel_loop3A_170 = vector.bitcast %parallel_loop3A_169 : vector<16xf32> to vector<16xi32>
        %parallel_loop3A_171 = arith.constant 1 : i32
        %parallel_loop3A_172 = vector.broadcast %parallel_loop3A_171 : i32 to vector<16xi32>
        %parallel_loop3A_173 = arith.shrui %parallel_loop3A_170, %parallel_loop3A_172 : vector<16xi32>
        %parallel_loop3A_174 = arith.constant 1597463007 : i32
        %parallel_loop3A_175 = vector.broadcast %parallel_loop3A_174 : i32 to vector<16xi32>
        %parallel_loop3A_176 = arith.subi %parallel_loop3A_175, %parallel_loop3A_173 : vector<16xi32>
        %parallel_loop3A_177 = vector.bitcast %parallel_loop3A_176 : vector<16xi32> to vector<16xf32>
        %parallel_loop3A_178 = arith.constant 5.000000e-01 : f32
        %parallel_loop3A_179 = vector.broadcast %parallel_loop3A_178 : f32 to vector<16xf32>
        %parallel_loop3A_180 = arith.mulf %parallel_loop3A_179, %parallel_loop3A_169 : vector<16xf32>
        %parallel_loop3A_181 = arith.mulf %parallel_loop3A_180, %parallel_loop3A_177 : vector<16xf32>
        %parallel_loop3A_182 = arith.mulf %parallel_loop3A_181, %parallel_loop3A_177 : vector<16xf32>
        %parallel_loop3A_183 = arith.constant 1.500000e+00 : f32
        %parallel_loop3A_184 = vector.broadcast %parallel_loop3A_183 : f32 to vector<16xf32>
        %parallel_loop3A_185 = arith.subf %parallel_loop3A_184, %parallel_loop3A_182 : vector<16xf32>
        %parallel_loop3A_186 = arith.mulf %parallel_loop3A_177, %parallel_loop3A_185 : vector<16xf32>
        %parallel_loop3A_187 = arith.mulf %parallel_loop3A_180, %parallel_loop3A_186 : vector<16xf32>
        %parallel_loop3A_188 = arith.mulf %parallel_loop3A_187, %parallel_loop3A_186 : vector<16xf32>
        %parallel_loop3A_189 = arith.constant 1.500000e+00 : f32
        %parallel_loop3A_190 = vector.broadcast %parallel_loop3A_189 : f32 to vector<16xf32>
        %parallel_loop3A_191 = arith.subf %parallel_loop3A_190, %parallel_loop3A_188 : vector<16xf32>
        %parallel_loop3A_192 = arith.mulf %parallel_loop3A_186, %parallel_loop3A_191 : vector<16xf32>
        %parallel_loop3A_193 = arith.mulf %parallel_loop3A_169, %parallel_loop3A_169 : vector<16xf32>
        %parallel_loop3A_194 = arith.mulf %parallel_loop3A_193, %parallel_loop3A_192 : vector<16xf32>
        %parallel_loop3A_195 = arith.constant -0.699999988 : f32
        %parallel_loop3A_196 = vector.broadcast %parallel_loop3A_195 : f32 to vector<16xf32>
        %parallel_loop3A_197 = arith.mulf %parallel_loop3A_196, %parallel_loop3A_194 : vector<16xf32>
        %parallel_loop3A_198 = math.exp %parallel_loop3A_197 : vector<16xf32>
        %parallel_loop3A_199 = arith.constant 1.000000e+00 : f32
        %parallel_loop3A_200 = vector.broadcast %parallel_loop3A_199 : f32 to vector<16xf32>
        %parallel_loop3A_201 = arith.subf %parallel_loop3A_200, %parallel_loop3A_198 : vector<16xf32>
        %parallel_loop3A_202 = arith.mulf %parallel_loop3A_163, %parallel_loop3A_201 : vector<16xf32>
        %parallel_loop3A_203 = arith.constant -0.280028522 : f32
        %parallel_loop3A_204 = vector.broadcast %parallel_loop3A_203 : f32 to vector<16xf32>
        %parallel_loop3A_205 = arith.mulf %parallel_loop3A_202, %parallel_loop3A_204 : vector<16xf32>
        %parallel_loop3A_206 = arith.mulf %parallel_loop3A_167, %parallel_loop3A_167 : vector<16xf32>
        %parallel_loop3A_207 = arith.mulf %parallel_loop3A_206, %parallel_loop3A_167 : vector<16xf32>
        %parallel_loop3A_208 = arith.divf %parallel_loop3A_205, %parallel_loop3A_207 : vector<16xf32>
        %parallel_loop3A_209 = arith.constant 16 : i32
        %parallel_loop3A_210 = arith.muli %parallel_loop3A_141, %parallel_loop3A_209 : i32
        %parallel_loop3A_211 = arith.index_cast %parallel_loop3A_210 : i32 to index
        %parallel_loop3A_212 = tpu.vector_load %arg21[%parallel_loop3A_211] {strides = array<i32>} : memref<800xf32, #tpu.memory_space<vmem>>, vector<16xf32>,
        %parallel_loop3A_213 = arith.mulf %parallel_loop3A_208, %parallel_loop3A_212 : vector<16xf32>
        %parallel_loop3A_214 = arith.constant 16 : i32
        %parallel_loop3A_215 = arith.muli %parallel_loop3A_141, %parallel_loop3A_214 : i32
        %parallel_loop3A_216 = arith.index_cast %parallel_loop3A_215 : i32 to index
        %parallel_loop3A_217 = tpu.vector_load %arg24[%parallel_loop3A_216] {strides = array<i32>} : memref<800xf32, #tpu.memory_space<vmem>>, vector<16xf32>,
        tpu.vector_store %arg24[%parallel_loop3A_216], %parallel_loop3A_213 {strides = array<i32>} : memref<800xf32, #tpu.memory_space<vmem>>, vector<16xf32>,
        %parallel_loop3A_218 = arith.constant 16 : i32
        %parallel_loop3A_219 = arith.muli %parallel_loop3A_141, %parallel_loop3A_218 : i32
        %parallel_loop3A_220 = arith.index_cast %parallel_loop3A_219 : i32 to index
        %parallel_loop3A_221 = tpu.vector_load %arg22[%parallel_loop3A_220] {strides = array<i32>} : memref<800xf32, #tpu.memory_space<vmem>>, vector<16xf32>,
        %parallel_loop3A_222 = arith.mulf %parallel_loop3A_208, %parallel_loop3A_221 : vector<16xf32>
        %parallel_loop3A_223 = arith.constant 16 : i32
        %parallel_loop3A_224 = arith.muli %parallel_loop3A_141, %parallel_loop3A_223 : i32
        %parallel_loop3A_225 = arith.index_cast %parallel_loop3A_224 : i32 to index
        %parallel_loop3A_226 = tpu.vector_load %arg25[%parallel_loop3A_225] {strides = array<i32>} : memref<800xf32, #tpu.memory_space<vmem>>, vector<16xf32>,
        tpu.vector_store %arg25[%parallel_loop3A_225], %parallel_loop3A_222 {strides = array<i32>} : memref<800xf32, #tpu.memory_space<vmem>>, vector<16xf32>,
        %parallel_loop3A_227 = arith.constant 16 : i32
        %parallel_loop3A_228 = arith.muli %parallel_loop3A_141, %parallel_loop3A_227 : i32
        %parallel_loop3A_229 = arith.index_cast %parallel_loop3A_228 : i32 to index
        %parallel_loop3A_230 = tpu.vector_load %arg23[%parallel_loop3A_229] {strides = array<i32>} : memref<800xf32, #tpu.memory_space<vmem>>, vector<16xf32>,
        %parallel_loop3A_231 = arith.mulf %parallel_loop3A_208, %parallel_loop3A_230 : vector<16xf32>
        %parallel_loop3A_232 = arith.constant 16 : i32
        %parallel_loop3A_233 = arith.muli %parallel_loop3A_141, %parallel_loop3A_232 : i32
        %parallel_loop3A_234 = arith.index_cast %parallel_loop3A_233 : i32 to index
        %parallel_loop3A_235 = tpu.vector_load %arg26[%parallel_loop3A_234] {strides = array<i32>} : memref<800xf32, #tpu.memory_space<vmem>>, vector<16xf32>,
        tpu.vector_store %arg26[%parallel_loop3A_234], %parallel_loop3A_231 {strides = array<i32>} : memref<800xf32, #tpu.memory_space<vmem>>, vector<16xf32>,
      } {sc.loop_unroll_factor = 4 : i64, sc.parallel_access}
      "tpu.region"() ({
        %run_scoped3A = tpu.sem_alloc : memref<!tpu.dma_semaphore, #tpu.memory_space<semaphore_mem>>
        %dma_start3A_141 = arith.constant 0 : i32
        %dma_start3A_142 = tpu.memref_slice %arg29[%dma_start3A_141] : memref<100096xf32, #tpu.memory_space<vmem_shared>> -> memref<100096xf32, #tpu.memory_space<vmem_shared>>
        tpu.enqueue_indirect_dma source(%arg24 : memref<800xf32, #tpu.memory_space<vmem>>) target(%dma_start3A_142 : memref<100096xf32, #tpu.memory_space<vmem_shared>>) offsets(%arg18 : memref<800xi32, #tpu.memory_space<vmem>>) semaphore(%run_scoped3A : memref<!tpu.dma_semaphore, #tpu.memory_space<semaphore_mem>>) {add = true}
        %dma_wait3A_143 = arith.constant 0 : i32
        %dma_wait3A_144 = tpu.memref_slice %arg29[%dma_wait3A_143] : memref<100096xf32, #tpu.memory_space<vmem_shared>> -> memref<100096xf32, #tpu.memory_space<vmem_shared>>
        tpu.wait_indirect_dma semaphore(%run_scoped3A : memref<!tpu.dma_semaphore, #tpu.memory_space<semaphore_mem>>) src(%arg24 : memref<800xf32, #tpu.memory_space<vmem>>) dst(%dma_wait3A_144 : memref<100096xf32, #tpu.memory_space<vmem_shared>>)
        tpu.yield
      }) : () -> ()
      "tpu.region"() ({
        %run_scoped3A = tpu.sem_alloc : memref<!tpu.dma_semaphore, #tpu.memory_space<semaphore_mem>>
        %dma_start3A_141 = arith.constant 0 : i32
        %dma_start3A_142 = tpu.memref_slice %arg30[%dma_start3A_141] : memref<100096xf32, #tpu.memory_space<vmem_shared>> -> memref<100096xf32, #tpu.memory_space<vmem_shared>>
        tpu.enqueue_indirect_dma source(%arg25 : memref<800xf32, #tpu.memory_space<vmem>>) target(%dma_start3A_142 : memref<100096xf32, #tpu.memory_space<vmem_shared>>) offsets(%arg18 : memref<800xi32, #tpu.memory_space<vmem>>) semaphore(%run_scoped3A : memref<!tpu.dma_semaphore, #tpu.memory_space<semaphore_mem>>) {add = true}
        %dma_wait3A_143 = arith.constant 0 : i32
        %dma_wait3A_144 = tpu.memref_slice %arg30[%dma_wait3A_143] : memref<100096xf32, #tpu.memory_space<vmem_shared>> -> memref<100096xf32, #tpu.memory_space<vmem_shared>>
        tpu.wait_indirect_dma semaphore(%run_scoped3A : memref<!tpu.dma_semaphore, #tpu.memory_space<semaphore_mem>>) src(%arg25 : memref<800xf32, #tpu.memory_space<vmem>>) dst(%dma_wait3A_144 : memref<100096xf32, #tpu.memory_space<vmem_shared>>)
        tpu.yield
      }) : () -> ()
      "tpu.region"() ({
        %run_scoped3A = tpu.sem_alloc : memref<!tpu.dma_semaphore, #tpu.memory_space<semaphore_mem>>
        %dma_start3A_141 = arith.constant 0 : i32
        %dma_start3A_142 = tpu.memref_slice %arg31[%dma_start3A_141] : memref<100096xf32, #tpu.memory_space<vmem_shared>> -> memref<100096xf32, #tpu.memory_space<vmem_shared>>
        tpu.enqueue_indirect_dma source(%arg26 : memref<800xf32, #tpu.memory_space<vmem>>) target(%dma_start3A_142 : memref<100096xf32, #tpu.memory_space<vmem_shared>>) offsets(%arg18 : memref<800xi32, #tpu.memory_space<vmem>>) semaphore(%run_scoped3A : memref<!tpu.dma_semaphore, #tpu.memory_space<semaphore_mem>>) {add = true}
        %dma_wait3A_143 = arith.constant 0 : i32
        %dma_wait3A_144 = tpu.memref_slice %arg31[%dma_wait3A_143] : memref<100096xf32, #tpu.memory_space<vmem_shared>> -> memref<100096xf32, #tpu.memory_space<vmem_shared>>
        tpu.wait_indirect_dma semaphore(%run_scoped3A : memref<!tpu.dma_semaphore, #tpu.memory_space<semaphore_mem>>) src(%arg26 : memref<800xf32, #tpu.memory_space<vmem>>) dst(%dma_wait3A_144 : memref<100096xf32, #tpu.memory_space<vmem_shared>>)
        tpu.yield
      }) : () -> ()
    }
    %scan3A_32 = arith.constant 125 : i32
    %barrier3A_33 = arith.constant 0 : index
    tpu.barrier barrier_id(%barrier3A_33)
    %mul3A_34 = arith.constant 6256 : i32
    %mul3A_35 = arith.muli %arg1, %mul3A_34 : i32
    %mul3A_36 = arith.constant 100096 : i32
    %mul3A_37 = arith.muli %arg0, %mul3A_36 : i32
    %mul3A_38 = arith.constant 3 : i32
    %mul3A_39 = arith.muli %mul3A_37, %mul3A_38 : i32
    %mul3A_40 = arith.constant 6256 : i32
    %mul3A_41 = arith.muli %arg1, %mul3A_40 : i32
    %add3A_42 = arith.addi %mul3A_39, %mul3A_41 : i32
    "tpu.region"() ({
      %run_scoped3A = tpu.sem_alloc : memref<!tpu.dma_semaphore, #tpu.memory_space<semaphore_mem>>
      %dma_start3A_65 = tpu.memref_slice %arg10[%add3A_42] : memref<600576xf32, #tpu.memory_space<hbm>> -> memref<6256xf32, #tpu.memory_space<hbm>>
      %dma_start3A_66 = tpu.memref_slice %arg29[%mul3A_35] : memref<100096xf32, #tpu.memory_space<vmem_shared>> -> memref<6256xf32, #tpu.memory_space<vmem_shared>>
      tpu.enqueue_dma source(%dma_start3A_66 : memref<6256xf32, #tpu.memory_space<vmem_shared>>) target(%dma_start3A_65 : memref<6256xf32, #tpu.memory_space<hbm>>) target_semaphore(%run_scoped3A : memref<!tpu.dma_semaphore, #tpu.memory_space<semaphore_mem>>)
      %dma_wait3A = tpu.memref_slice %arg10[%add3A_42] : memref<600576xf32, #tpu.memory_space<hbm>> -> memref<6256xf32, #tpu.memory_space<hbm>>
      %dma_wait3A_67 = tpu.memref_slice %arg29[%mul3A_35] : memref<100096xf32, #tpu.memory_space<vmem_shared>> -> memref<6256xf32, #tpu.memory_space<vmem_shared>>
      tpu.wait_dma2 semaphore(%run_scoped3A : memref<!tpu.dma_semaphore, #tpu.memory_space<semaphore_mem>>) src(%dma_wait3A_67 : memref<6256xf32, #tpu.memory_space<vmem_shared>>) dst(%dma_wait3A : memref<6256xf32, #tpu.memory_space<hbm>>)
      tpu.yield
    }) : () -> ()
    %mul3A_43 = arith.constant 6256 : i32
    %mul3A_44 = arith.muli %arg1, %mul3A_43 : i32
    %mul3A_45 = arith.constant 100096 : i32
    %mul3A_46 = arith.muli %arg0, %mul3A_45 : i32
    %mul3A_47 = arith.constant 3 : i32
    %mul3A_48 = arith.muli %mul3A_46, %mul3A_47 : i32
    %add3A_49 = arith.constant 100096 : i32
    %add3A_50 = arith.addi %mul3A_48, %add3A_49 : i32
    %mul3A_51 = arith.constant 6256 : i32
    %mul3A_52 = arith.muli %arg1, %mul3A_51 : i32
    %add3A_53 = arith.addi %add3A_50, %mul3A_52 : i32
    "tpu.region"() ({
      %run_scoped3A = tpu.sem_alloc : memref<!tpu.dma_semaphore, #tpu.memory_space<semaphore_mem>>
      %dma_start3A_65 = tpu.memref_slice %arg10[%add3A_53] : memref<600576xf32, #tpu.memory_space<hbm>> -> memref<6256xf32, #tpu.memory_space<hbm>>
      %dma_start3A_66 = tpu.memref_slice %arg30[%mul3A_44] : memref<100096xf32, #tpu.memory_space<vmem_shared>> -> memref<6256xf32, #tpu.memory_space<vmem_shared>>
      tpu.enqueue_dma source(%dma_start3A_66 : memref<6256xf32, #tpu.memory_space<vmem_shared>>) target(%dma_start3A_65 : memref<6256xf32, #tpu.memory_space<hbm>>) target_semaphore(%run_scoped3A : memref<!tpu.dma_semaphore, #tpu.memory_space<semaphore_mem>>)
      %dma_wait3A = tpu.memref_slice %arg10[%add3A_53] : memref<600576xf32, #tpu.memory_space<hbm>> -> memref<6256xf32, #tpu.memory_space<hbm>>
      %dma_wait3A_67 = tpu.memref_slice %arg30[%mul3A_44] : memref<100096xf32, #tpu.memory_space<vmem_shared>> -> memref<6256xf32, #tpu.memory_space<vmem_shared>>
      tpu.wait_dma2 semaphore(%run_scoped3A : memref<!tpu.dma_semaphore, #tpu.memory_space<semaphore_mem>>) src(%dma_wait3A_67 : memref<6256xf32, #tpu.memory_space<vmem_shared>>) dst(%dma_wait3A : memref<6256xf32, #tpu.memory_space<hbm>>)
      tpu.yield
    }) : () -> ()
    %mul3A_54 = arith.constant 6256 : i32
    %mul3A_55 = arith.muli %arg1, %mul3A_54 : i32
    %mul3A_56 = arith.constant 100096 : i32
    %mul3A_57 = arith.muli %arg0, %mul3A_56 : i32
    %mul3A_58 = arith.constant 3 : i32
    %mul3A_59 = arith.muli %mul3A_57, %mul3A_58 : i32
    %add3A_60 = arith.constant 200192 : i32
    %add3A_61 = arith.addi %mul3A_59, %add3A_60 : i32
    %mul3A_62 = arith.constant 6256 : i32
    %mul3A_63 = arith.muli %arg1, %mul3A_62 : i32
    %add3A_64 = arith.addi %add3A_61, %mul3A_63 : i32
    "tpu.region"() ({
      %run_scoped3A = tpu.sem_alloc : memref<!tpu.dma_semaphore, #tpu.memory_space<semaphore_mem>>
      %dma_start3A_65 = tpu.memref_slice %arg10[%add3A_64] : memref<600576xf32, #tpu.memory_space<hbm>> -> memref<6256xf32, #tpu.memory_space<hbm>>
      %dma_start3A_66 = tpu.memref_slice %arg31[%mul3A_55] : memref<100096xf32, #tpu.memory_space<vmem_shared>> -> memref<6256xf32, #tpu.memory_space<vmem_shared>>
      tpu.enqueue_dma source(%dma_start3A_66 : memref<6256xf32, #tpu.memory_space<vmem_shared>>) target(%dma_start3A_65 : memref<6256xf32, #tpu.memory_space<hbm>>) target_semaphore(%run_scoped3A : memref<!tpu.dma_semaphore, #tpu.memory_space<semaphore_mem>>)
      %dma_wait3A = tpu.memref_slice %arg10[%add3A_64] : memref<600576xf32, #tpu.memory_space<hbm>> -> memref<6256xf32, #tpu.memory_space<hbm>>
      %dma_wait3A_67 = tpu.memref_slice %arg31[%mul3A_55] : memref<100096xf32, #tpu.memory_space<vmem_shared>> -> memref<6256xf32, #tpu.memory_space<vmem_shared>>
      tpu.wait_dma2 semaphore(%run_scoped3A : memref<!tpu.dma_semaphore, #tpu.memory_space<semaphore_mem>>) src(%dma_wait3A_67 : memref<6256xf32, #tpu.memory_space<vmem_shared>>) dst(%dma_wait3A : memref<6256xf32, #tpu.memory_space<hbm>>)
      tpu.yield
    }) : () -> ()
    return
  }
}

module attributes {stable_mosaic.version = 14 : i64} {
  func.func @_table_body(%arg0: memref<782x128xf32, #tpu.memory_space<vmem>>, %arg1: memref<782x128xf32, #tpu.memory_space<vmem>>, %arg2: memref<782x128xi32, #tpu.memory_space<vmem>>) attributes {dimension_semantics = [], scalar_prefetch = 0 : i64, scratch_operands = 0 : i64, tpu.core_type = #tpu.core_type<tc>} {
    %get3A = arith.constant 0 : index
    %get3A_0 = arith.constant 0 : index
    %get3A_1 = vector.load %arg0[%get3A, %get3A_0] : memref<782x128xf32, #tpu.memory_space<vmem>>, vector<782x128xf32>
    %get3A_2 = arith.constant 0 : index
    %get3A_3 = arith.constant 0 : index
    %get3A_4 = vector.load %arg1[%get3A_2, %get3A_3] : memref<782x128xf32, #tpu.memory_space<vmem>>, vector<782x128xf32>
    %log3A = math.log %get3A_1 : vector<782x128xf32>
    %mul3A = arith.constant -0.166666672 : f32
    %mul3A_5 = vector.broadcast %mul3A : f32 to vector<782x128xf32>
    %mul3A_6 = arith.mulf %log3A, %mul3A_5 : vector<782x128xf32>
    %exp3A = math.exp %mul3A_6 : vector<782x128xf32>
    %convert_element_type3A = arith.truncf %exp3A : vector<782x128xf32> to vector<782x128xbf16>
    %bitcast_convert_type3A = tpu.bitcast %convert_element_type3A : vector<782x128xbf16> -> vector<782x128xi16>
    %convert_element_type3A_7 = arith.extui %bitcast_convert_type3A : vector<782x128xi16> to vector<782x128xi32>
    %convert_element_type3A_8 = arith.truncf %get3A_4 : vector<782x128xf32> to vector<782x128xbf16>
    %bitcast_convert_type3A_9 = tpu.bitcast %convert_element_type3A_8 : vector<782x128xbf16> -> vector<782x128xi16>
    %convert_element_type3A_10 = arith.extui %bitcast_convert_type3A_9 : vector<782x128xi16> to vector<782x128xi32>
    %shift_left3A = arith.constant 16 : i32
    %shift_left3A_11 = vector.broadcast %shift_left3A : i32 to vector<782x128xi32>
    %shift_left3A_12 = arith.shli %convert_element_type3A_10, %shift_left3A_11 : vector<782x128xi32>
    %or3A = arith.ori %shift_left3A_12, %convert_element_type3A_7 : vector<782x128xi32>
    %swap3A = arith.constant 0 : index
    %swap3A_13 = arith.constant 0 : index
    %swap3A_14 = vector.load %arg2[%swap3A, %swap3A_13] : memref<782x128xi32, #tpu.memory_space<vmem>>, vector<782x128xi32>
    tpu.vector_store %arg2[%swap3A, %swap3A_13], %or3A {strides = array<i32>} : memref<782x128xi32, #tpu.memory_space<vmem>>, vector<782x128xi32>,
    return
  }
}

module attributes {stable_mosaic.version = 14 : i64} {
  func.func @_add_body(%arg0: memref<2x3x100000xf32, #tpu.memory_space<vmem>>, %arg1: memref<3x100000xf32, #tpu.memory_space<vmem>>) attributes {dimension_semantics = [], scalar_prefetch = 0 : i64, scratch_operands = 0 : i64, tpu.core_type = #tpu.core_type<tc>} {
    %get3A = arith.constant 0 : index
    %get3A_0 = arith.constant 0 : index
    %get3A_1 = arith.constant 0 : index
    %get3A_2 = vector.load %arg0[%get3A, %get3A_0, %get3A_1] : memref<2x3x100000xf32, #tpu.memory_space<vmem>>, vector<1x3x100000xf32>
    %get3A_3 = vector.shape_cast %get3A_2 : vector<1x3x100000xf32> to vector<3x100000xf32>
    %get3A_4 = arith.constant 1 : index
    %get3A_5 = arith.constant 0 : index
    %get3A_6 = arith.constant 0 : index
    %get3A_7 = vector.load %arg0[%get3A_4, %get3A_5, %get3A_6] : memref<2x3x100000xf32, #tpu.memory_space<vmem>>, vector<1x3x100000xf32>
    %get3A_8 = vector.shape_cast %get3A_7 : vector<1x3x100000xf32> to vector<3x100000xf32>
    %add3A = arith.addf %get3A_3, %get3A_8 : vector<3x100000xf32>
    %swap3A = arith.constant 0 : index
    %swap3A_9 = arith.constant 0 : index
    %swap3A_10 = vector.load %arg1[%swap3A, %swap3A_9] : memref<3x100000xf32, #tpu.memory_space<vmem>>, vector<3x100000xf32>
    tpu.vector_store %arg1[%swap3A, %swap3A_9], %add3A {strides = array<i32>} : memref<3x100000xf32, #tpu.memory_space<vmem>>, vector<3x100000xf32>,
    return
  }
}

</mosaic_0001>

<sc_bundles>
// kernel: kernel.5.cloned.1.call-start
scs
__scs_entry_jumppad:
0x0: {  	(pc) =	sbr.rel $0x88, $3  }
0x1: {  	(tag) =	ssettag $0x0;
	lr =	simm.s32 $0x1  }
0x2: {  	[smem:$0x3F9B] =	sst lr;
	_ =	strace $0xD0000000  }
0x3: {  	_ = 	snop  }
0x4: {  	_ = 	snop  }
0x5: {  	_ = 	snop  }
0x6: {  	_ = 	snop  }
0x7: {  	_ = 	snop  }
__scs_overlays_trampoline_lowered:
0x8: {  	[smem:$0x3FAA] =	sst s0  }
0x9: {  	[smem:$0x3FAB] =	sst s1  }
0xa: {  	[smem:$0x3FAC] =	sst s2  }
0xb: {  	[smem:$0x3FAD] =	sst s3  }
0xc: {  	[smem:$0x3FAE] =	sst s4  }
0xd: {  	[smem:$0x3FAF] =	sst s5  }
0xe: {  	[smem:$0x3FB0] =	sst s6  }
0xf: {  	[smem:$0x3FB1] =	sst s7  }
0x10: {  	[smem:$0x3FB2] =	sst s8  }
0x11: {  	[smem:$0x3FB3] =	sst s9;
	s0 =	simm.s32 @!p0 $0x0  }
0x12: {  	s1 =	sld [smem:$0x3F99];
	s0 =	simm.s32 @p0 $0x1  }
0x13: {  	[smem:$0x3FB4] =	sst s0;
	s0 =	simm.s32 @!p1 $0x0  }
0x14: {  	s2 =	sld [smem:$0x3F98];
	s0 =	simm.s32 @p1 $0x1  }
0x15: {  	[smem:$0x3FB5] =	sst s0;
	s0 =	simm.s32 @!p2 $0x0  }
0x16: {  	s3 =	sld [smem:$0x3FDB];
	s0 =	simm.s32 @p2 $0x1  }
0x17: {  	s4 =	simm.s32 $0x1BF5;
	[smem:$0x3FB7] =	sst s0  }
0x18: {  	s0 =	sld [smem:$0x3F9A];
	_ =	swait.ge [sflag:s4], $0x0  }
0x19: {  	s7 =	sld [smem:$0x3F9B]  }
0x1a: {  	s8 =	sadd.s32 $0xFFFFE003, lr  }
0x1b: {  	s9 =	sadd.s32 $0xFFFFFEF7, lr;
	s5 =	simm.s32 $0xFFFFFFFF;
	p2 =	slt.u32 s8, $0xFFFFF086  }
0x1c: {  	p1 =	slt.u32 s9, $0xF7A;
	s5 =	simm.s32 @!p2 $0x0  }
0x1d: {  	s5 =	simm.s32 @p1 $0x1;
	p0 =	seq.s32 s7, s2  }
0x1e: {  	s7 =	smul.u32 @!p0 $0xF7A, s2;
	p2 =	seq.s32 @!p0 s5, $0x0  }
0x1f: {  	s9 =	smul.u32 $0xF7A, s1;
	s8 =	simm.s32 @!p0 $0x1BF5;
	p2 =	por !p2, p0  }
0x20: {  	[sflag:s8] =	ssyncset.s32 @!p0 $0xFFFFF086;
	s6 =	sadd.s32 @!p0 s3, s7;
	s7 =	simm.s32 @!p0 $0x108  }
0x21: {  	s3 =	sadd.s32 s3, s9;
	s6 =	sadd.s32 @!p0 $0x88, s6;
	s7 =	simm.s32 @p2 $0x1082  }
0x22: {  	[simem:s7], [sflag:s8] =	dma.local @!p0 [hbm:s6], $0xF7A  }
0x23: {  	s9 =	sor.u32 $0xD0000000, s2;
	s6 =	simm.s32 $0x108;
	_ =	swait.ge @!p0 [sflag:s8], $0x0  }
0x24: {  	s3 =	sadd.s32 $0x88, s3;
	s6 =	simm.s32 @!p1 $0x1082;
	[sflag:s4] =	ssyncset.s32 $0xFFFFF086  }
0x25: {  	[simem:s6], [sflag:s4] =	dma.local [hbm:s3], $0xF7A  }
0x26: {  	[smem:$0x3F9B] =	sst s1;
	(tag) =	ssettag s2;
	_ =	strace s9  }
0x27: {  	s1 =	sld [smem:$0x3FAB]  }
0x28: {  	s2 =	sld [smem:$0x3FAC]  }
0x29: {  	s4 =	sld [smem:$0x3FAE]  }
0x2a: {  	p0 =	seq.s32 s5, $0x0;
	s5 =	sld [smem:$0x3FAF]  }
0x2b: {  	s6 =	sld [smem:$0x3FB0]  }
0x2c: {  	s7 =	sld [smem:$0x3FB1]  }
0x2d: {  	s3 =	simm.s32 $0x108;
	s8 =	sld [smem:$0x3FB2]  }
0x2e: {  	s3 =	simm.s32 @!p0 $0x1082;
	s9 =	sld [smem:$0x3FB3]  }
0x2f: {  	lr =	sadd.s32 s0, s3;
	s0 =	sld [smem:$0x3FAA]  }
0x30: {  	s3 =	sld [smem:$0x3FAD]  }
0x31: {  	[smem:$0x3FB6] =	sst s10  }
0x32: {  	s10 =	sld [smem:$0x3FB4];
	_ =	sdelay $0x3  }
0x33: {  	p0 =	seq.s32 s10, $0x1;
	s10 =	sld [smem:$0x3FB6];
	_ =	sdelay $0x3  }
0x34: {  	[smem:$0x3FB6] =	sst s10  }
0x35: {  	s10 =	sld [smem:$0x3FB5];
	_ =	sdelay $0x3  }
0x36: {  	p1 =	seq.s32 s10, $0x1;
	s10 =	sld [smem:$0x3FB6];
	_ =	sdelay $0x3  }
0x37: {  	[smem:$0x3FB6] =	sst s10  }
0x38: {  	s10 =	sld [smem:$0x3FB7]  }
0x39: {  	_ = 	snop;
	(pc) =	sbr.ind lr, $3  }
0x3a: {  	_ = 	snop  }
0x3b: {  	_ = 	snop  }
0x3c: {  	p2 =	seq.s32 s10, $0x1;
	s10 =	sld [smem:$0x3FB6]  }
0x3d: {  	_ =	shalt  }
0x3e: {  	_ =	shalt  }
0x3f: {  	_ =	shalt  }
0x40: {  	_ =	shalt  }
0x41: {  	_ =	shalt  }
0x42: {  	_ =	shalt  }
0x43: {  	_ =	shalt  }
0x44: {  	_ =	shalt  }
0x45: {  	_ =	shalt  }
0x46: {  	_ =	shalt  }
0x47: {  	_ =	shalt  }
0x48: {  	_ =	shalt  }
0x49: {  	_ =	shalt  }
0x4a: {  	_ =	shalt  }
0x4b: {  	_ =	shalt  }
0x4c: {  	_ =	shalt  }
0x4d: {  	_ =	shalt  }
0x4e: {  	_ =	shalt  }
0x4f: {  	_ =	shalt  }
0x50: {  	_ =	shalt  }
0x51: {  	_ =	shalt  }
0x52: {  	_ =	shalt  }
0x53: {  	_ =	shalt  }
0x54: {  	_ =	shalt  }
0x55: {  	_ =	shalt  }
0x56: {  	_ =	shalt  }
0x57: {  	_ =	shalt  }
0x58: {  	_ =	shalt  }
0x59: {  	_ =	shalt  }
0x5a: {  	_ =	shalt  }
0x5b: {  	_ =	shalt  }
0x5c: {  	_ =	shalt  }
0x5d: {  	_ =	shalt  }
0x5e: {  	_ =	shalt  }
0x5f: {  	_ =	shalt  }
0x60: {  	_ =	shalt  }
0x61: {  	_ =	shalt  }
0x62: {  	_ =	shalt  }
0x63: {  	_ =	shalt  }
0x64: {  	_ =	shalt  }
0x65: {  	_ =	shalt  }
0x66: {  	_ =	shalt  }
0x67: {  	_ =	shalt  }
0x68: {  	_ =	shalt  }
0x69: {  	_ =	shalt  }
0x6a: {  	_ =	shalt  }
0x6b: {  	_ =	shalt  }
0x6c: {  	_ =	shalt  }
0x6d: {  	_ =	shalt  }
0x6e: {  	_ =	shalt  }
0x6f: {  	_ =	shalt  }
0x70: {  	_ =	shalt  }
0x71: {  	_ =	shalt  }
0x72: {  	_ =	shalt  }
0x73: {  	_ =	shalt  }
0x74: {  	_ =	shalt  }
0x75: {  	_ =	shalt  }
0x76: {  	_ =	shalt  }
0x77: {  	_ =	shalt  }
0x78: {  	_ =	shalt  }
0x79: {  	_ =	shalt  }
0x7a: {  	_ =	shalt  }
0x7b: {  	_ =	shalt  }
0x7c: {  	_ =	shalt  }
0x7d: {  	_ =	shalt  }
0x7e: {  	_ =	shalt  }
0x7f: {  	_ =	shalt  }
0x80: {  	_ =	shalt  }
0x81: {  	_ =	shalt  }
0x82: {  	_ =	shalt  }
0x83: {  	_ =	shalt  }
0x84: {  	_ =	shalt  }
0x85: {  	_ =	shalt  }
0x86: {  	_ =	shalt  }
0x87: {  	_ =	shalt  }
.Lfunc_end0:
.L_simem_size_0:
called_computation_lowered:
.L_overlay_start_0:
0x88: {  	s2 =	sld [smem:$0x3FD9]  }
0x89: {  	s3 =	sld [smem:$0x3FFE];
	_ =	sdelay $0x1  }
0x8a: {  	s1 =	srdreg.scid  }
0x8b: {  	s0 =	sand.u32 $0x1, s1  }
0x8c: {  	s17 =	sshll.u32 s0, $0xA;
	s2 =	sadd.s32 s3, s2  }
0x8d: {  	s2 =	sadd.s32 s2, s17  }
0x8e: {  	[smem:$0x3FC2] =	sst s2  }
0x8f: {  	_ = 	snop  }
0x90: {  	s2 =	sld [smem:$0x3FC9]  }
0x91: {  	s18 =	sld [smem:$0x3FC8]  }
0x92: {  	s4 =	sld [smem:$0x3FC7]  }
0x93: {  	s5 =	sld [smem:$0x3FD0];
	(tm) =	ssettm $0x1  }
0x94: {  	s6 =	sld [smem:$0x3FFB];
	_ =	sdelay $0x3  }
0x95: {  	_ =	strace s6  }
0x96: {  	s6 =	sld [smem:$0x3FFC];
	_ =	sdelay $0x3  }
0x97: {  	_ =	strace s6  }
0x98: {  	s6 =	sld [smem:$0x3FFD];
	_ =	sdelay $0x3  }
0x99: {  	_ =	strace s6  }
0x9a: {  	_ =	strace $0x8FFFFFFF  }
0x9b: {  	s19 =	sld [smem:$0x3FDB];
	_ =	sdelay $0x1  }
0x9c: {  	s7 =	simm.s32 $_scs_section_size  }
0x9d: {  	s8 =	simm.s32 $_size__tile_overlayer_lowered;
	s9 =	simm.s32 $_tile_overlayer_lowered  }
0x9e: {  	s22 =	simm.s32 $0x1BFF;
	s21 =	sshll.u32 s9, $0x1;
	s6 =	sadd.s32 s7, s19  }
0x9f: {  	s10 =	simm.s32 $0x0;
	s20 =	sshll.u32 s8, $0x1;
	s8 =	sadd.s32 s21, s6  }
0xa0: {  	[timem:s10], [sflag:s22] =	dma.local [hbm:s8], s20  }
0xa1: {  	_ =	swait.ge [sflag:s22], s20  }
0xa2: {  	s7 =	ssub.s32 $0x0, s20;
	[sflag:s22] =	ssyncset.done $0x0  }
0xa3: {  	[sflag:s22] =	ssyncadd.s32 s7;
	_ =	sdelay $0x1  }
0xa4: {  	s23 =	simm.s32 $0x1B8B  }
0xa5: {  	_ =	swait.ge [sflag:s23], $0x1  }
0xa6: {  	[sflag:s23] =	ssyncset.done $0x0  }
0xa7: {  	s25 =	simm.s32 $0x1B8E;
	s24 =	sld [smem:$0x3FFE];
	[sflag:s23] =	ssyncadd.s32 $0xFFFFFFFF  }
0xa8: {  	s26 =	simm.s32 $execute0_lowered;
	[smem:$0x3FD2] =	sst s25  }
0xa9: {  	s8 =	sshll.u32 s26, $0x1;
	_ =	strace $0x80000046;
	[dreg:$0x1] =	wrdreg $0xFFFFFFFF  }
0xaa: {  	s28 =	simm.s32 $_size_execute0_lowered;
	s6 =	sadd.s32 s6, s8;
	[dreg:$0x0] =	wrdreg $0x0  }
0xab: {  	s8 =	sshll.u32 s28, $0x1;
	[dreg:$0x2] =	wrdreg s6  }
0xac: {  	[dreg:$0x3] =	wrdreg s8  }
0xad: {  	[dreg:$0x4] =	wrdreg $0xC0  }
0xae: {  	_ =	task [dreg:s10], $0x5FFFF  }
0xaf: {  	[dreg:$0x1] =	wrdreg $0xFFFFFFFF  }
0xb0: {  	[dreg:$0x0] =	wrdreg $0x60  }
0xb1: {  	[dreg:$0x2] =	wrdreg s5  }
0xb2: {  	[dreg:$0x3] =	wrdreg s2  }
0xb3: {  	[dreg:$0x4] =	wrdreg s18  }
0xb4: {  	[dreg:$0x5] =	wrdreg s4  }
0xb5: {  	[dreg:$0x6] =	wrdreg s24  }
0xb6: {  	[dreg:$0x7] =	wrdreg $0x1B5E00  }
0xb7: {  	[dreg:$0x8] =	wrdreg $0x1CE500  }
0xb8: {  	[dreg:$0x9] =	wrdreg $0x1E6C00  }
0xb9: {  	[dreg:$0xa] =	wrdreg $0x9  }
0xba: {  	_ =	task.clear_ibuf [dreg:s10], $0xBFFFF;
	_ =	strace $0x90000046  }
0xbb: {  	s29 =	simm.s32 $0x9;
	_ =	strace $0x80000048  }
0xbc: {  	_ =	swait.ge [sflag:s29], $0x1  }
0xbd: {  	[sflag:s29] =	ssyncadd.s32 $0xFFFFFFFF  }
0xbe: {  	_ =	strace $0x90000048  }
0xbf: {  	_ =	sfence  }
0xc0: {  	s30 =	sld [smem:$0x0];
	_ =	sdelay $0x2  }
0xc1: {  	s31 =	sshll.u32 s1, $0xD;
	s1 =	sshrl.u32 s1, $0x2  }
0xc2: {  	s3 =	sand.u32 $0x4000, s31;
	s1 =	sadd.s32 s1, s30  }
0xc3: {  	s0 =	sor.u32 s3, s0;
	s1 =	sshll.u32 s1, $0x11  }
0xc4: {  	s0 =	sor.u32 s1, s0  }
0xc5: {  	s0 =	sadd.s32 $0x8F2B, s0  }
0xc6: {  	[sflag:s0] =	ssyncadd.remote.s32 $0x1  }
0xc7: {  	_ =	sfence.sel $0xFFFF  }
0xc8: {  	[dreg:$0x0] =	wrdreg $0xFFFFFFFF;
	(pc) =	sbr.abs _section_cstart, $3  }
0xc9: {  	[dreg:$0x1] =	wrdreg $0xFFFFFFFF  }
0xca: {  	_ =	task.clear_ibuf [dreg:s10], $0x2FFFF;
	_ =	strace $0x9FFFFFFF  }
0xcb: {  	(tm) =	ssettm $0x7FFFFFFF  }
tec
execute0_lowered:
.L_overlay_start_1:
0x0: {  	(tag) =	ssettag $0x1  }
0x1: {  	s7 =	rddreg [dreg:$0x1]  }
0x2: {  	s8 =	rddreg [dreg:$0x2]  }
0x3: {  	s13 =	rddreg [dreg:$0x3]  }
0x4: {  	s0 =	rddreg [dreg:$0x4]  }
0x5: {  	s14 =	rddreg [dreg:$0x5]  }
0x6: {  	s15 =	rddreg [dreg:$0x6]  }
0x7: {  	s16 =	rddreg [dreg:$0x7]  }
0x8: {  	s9 =	simm.s32 $0x0;
	s5 =	stileid.u32;
	s2 =	srdreg.scid  }
0x9: {  	s30 =	simm.s32 $0x3;
	s31 =	simm.s32 $0x18700;
	[smem:$0x7FF] =	sst s9  }
0xa: {  	s1 =	smul.u32 $0x1870, s5;
	s2 =	sand.u32 $0x1, s2;
	s5 =	sshll.u32 s5, $0x1  }
0xb: {  	_ =	strace $0x80000047;
	s4 =	smul.u32 $0x49500, s2;
	s6 =	ssub.s32 $0x2, s2  }
0xc: {  	s2 =	sor.u32 s2, s5;
	s3 =	sshrl.u32 s1, $0x3;
	s28 =	sshrl.u32 s6, $0x1  }
0xd: {  	s2 =	smul.u32 $0x30D40, s2;
	s29 =	ssub.s32 s6, s28;
	s6 =	sadd.s32 s1, s14  }
0xe: {  	s3 =	sadd.s32 s3, s0;
	s14 =	sadd.s32 s1, s15;
	[dreg:$0x9] =	wrdreg s6  }
0xf: {  	s4 =	sadd.s32 s1, s4;
	s1 =	sadd.s32 s1, s16;
	[dreg:$0xb] =	wrdreg s14  }
0x10: {  	s10 =	sadd.s32 $0x187A00, s0;
	s3 =	sadd.s32 $0x24B000, s3;
	[dreg:$0xc] =	wrdreg s1  }
0x11: {  	s11 =	sadd.s32 $0xC4400, s0;
	s21 =	sadd.s32 $0x320, s2;
	[dreg:$0xa] =	wrdreg s3  }
0x12: {  	s12 =	sadd.s32 $0xE00, s0;
	s23 =	sadd.s32 $0x640, s2;
	[dreg:$0x11] =	wrdreg s21  }
0x13: {  	s15 =	sshrl.u32 s2, $0x3;
	s29 =	smax.u32 s29, $0x1;
	[dreg:$0x12] =	wrdreg s23  }
0x14: {  	s22 =	smov.u32 s13;
	s17 =	sadd.s32 s7, s15;
	[dreg:$0x18] =	wrdreg s29  }
0x15: {  	s4 =	sshrl.u32 s4, $0x3;
	s18 =	sadd.s32 s8, s15;
	[dreg:$0xd] =	wrdreg s17  }
0x16: {  	s2 =	simm.s32 $0x199C0;
	s19 =	sadd.s32 s13, s15;
	[dreg:$0xe] =	wrdreg s18  }
0x17: {  	s0 =	sadd.s32 s4, s0;
	s20 =	sadd.s32 s10, s15;
	[dreg:$0xf] =	wrdreg s19  }
0x18: {  	s24 =	sadd.s32 s11, s15;
	s26 =	sadd.s32 s12, s15;
	[dreg:$0x10] =	wrdreg s20  }
0x19: {  	s23 =	simm.s32 $0x1B2C0;
	s3 =	simm.s32 $0x0;
	[dreg:$0x13] =	wrdreg s24  }
0x1a: {  	s25 =	sadd.s32 $0x24E200, s0;
	[dreg:$0x15] =	wrdreg s26;
	s28 =	sadd.s32 $0x2512E0, s0  }
0x1b: {  	s0 =	sadd.s32 $0x2543C0, s0;
	s18 =	simm.s32 $0x320;
	[dreg:$0x14] =	wrdreg s25  }
0x1c: {  	s19 =	simm.s32 $0x1AC80;
	s20 =	simm.s32 $0x1AFA0;
	[dreg:$0x16] =	wrdreg s28  }
0x1d: {  	s24 =	simm.s32 $0x2;
	[dreg:$0x17] =	wrdreg s0;
	s0 =	simm.s32 $0x1  }
.LBB2_1:
0x1e: {  	[dreg:$0x19] =	wrdreg s3  }
0x1f: {  	s1 =	rddreg [dreg:$0x0]  }
0x20: {  	[tilespmem:s9], [sflag:$0x3] =	stream.linear.gather [hbm4b:s1+s9], $0x18700, $0x38;
	[tilespmem:$0x1FF30] =	vst v63  }
0x21: {  	s21 =	stileid.u32;
	_ =	swait.ge [sflag:s30], $0x18700  }
0x22: {  	s1 =	sshll.u32 s21, $0x6;
	s25 =	rddreg [dreg:$0x9]  }
0x23: {  	[sflag:s30] =	ssyncset.done $0x0;
	s29 =	rddreg [dreg:$0xa];
	s26 =	sshrl.u32 s25, $0x3  }
0x24: {  	s4 =	sor.u32 $0x1C03, s1;
	[sflag:s30] =	ssyncadd.s32 $0xFFFE7900;
	[dreg:$0x1b] =	wrdreg s26  }
0x25: {  	[spmem:s26], [sflag:s4] =	dma.local [hbm:s29], $0x30E  }
0x26: {  	_ =	swait.ge [sflag:s30], $0x30E  }
0x27: {  	s5 =	rddreg [dreg:$0xb]  }
0x28: {  	[sflag:s30] =	ssyncset.done $0x0;
	s3 =	sshrl.u32 s5, $0x3  }
0x29: {  	[sflag:s30] =	ssyncadd.s32 $0xFFFFFCF2;
	[dreg:$0x1c] =	wrdreg s3  }
0x2a: {  	[spmem:s3], [sflag:s4] =	dma.local [hbm:s29], $0x30E  }
0x2b: {  	_ =	swait.ge [sflag:s30], $0x30E  }
0x2c: {  	s6 =	rddreg [dreg:$0xc]  }
0x2d: {  	[dreg:$0x1a] =	wrdreg s4;
	[sflag:s30] =	ssyncset.done $0x0;
	s3 =	sshrl.u32 s6, $0x3  }
0x2e: {  	[sflag:s30] =	ssyncadd.s32 $0xFFFFFCF2;
	[dreg:$0x1d] =	wrdreg s3  }
0x2f: {  	[spmem:s3], [sflag:s4] =	dma.local [hbm:s29], $0x30E  }
0x30: {  	_ =	swait.ge [sflag:s30], $0x30E  }
0x31: {  	[sflag:s30] =	ssyncset.done $0x0  }
0x32: {  	[sflag:s30] =	ssyncadd.s32 $0xFFFFFCF2  }
0x33: {  	[bflag:$0x0] =	sbarrier.arrive $0xFFFF  }
0x34: {  	s7 =	rddreg [dreg:$0xd]  }
0x35: {  	[tilespmem:s31], [sflag:$0x1] =	stream.linear.gather [hbm4b:s7+s9], $0x320, $0x38;
	[tilespmem:$0x1FF30] =	vst v63  }
0x36: {  	s13 =	simm.s32 $0x18A20;
	s8 =	rddreg [dreg:$0xe]  }
0x37: {  	[tilespmem:s13], [sflag:$0x1] =	stream.linear.gather [hbm4b:s8+s9], $0x320, $0x38;
	[tilespmem:$0x1FF30] =	vst v63  }
0x38: {  	s15 =	simm.s32 $0x18D40;
	s14 =	rddreg [dreg:$0xf]  }
0x39: {  	[tilespmem:s15], [sflag:$0x1] =	stream.linear.gather [hbm4b:s14+s9], $0x320, $0x38;
	[tilespmem:$0x1FF30] =	vst v63  }
0x3a: {  	s17 =	simm.s32 $0x19060;
	s16 =	rddreg [dreg:$0x10]  }
0x3b: {  	[tilespmem:s17], [sflag:$0x1] =	stream.linear.gather [hbm4b:s16+s9], $0x320, $0x38;
	[tilespmem:$0x1FF30] =	vst v63  }
0x3c: {  	s25 =	simm.s32 $0x19380;
	s21 =	rddreg [dreg:$0x13]  }
0x3d: {  	[tilespmem:s25], [sflag:$0x1] =	stream.linear.gather [hbm4b:s21+s9], $0x320, $0x38;
	[tilespmem:$0x1FF30] =	vst v63  }
0x3e: {  	s28 =	simm.s32 $0x0;
	s29 =	simm.s32 $0x196A0;
	s26 =	rddreg [dreg:$0x15]  }
0x3f: {  	[tilespmem:s29], [sflag:$0x1] =	stream.linear.gather [hbm4b:s26+s9], $0x320, $0x38;
	[tilespmem:$0x1FF30] =	vst v63  }
.LBB2_2:
0x40: {  	_ =	swait.ge [sflag:s0], $0x320  }
0x41: {  	[sflag:s0] =	ssyncset.done $0x0  }
0x42: {  	[sflag:s0] =	ssyncadd.s32 $0xFFFFFCE0  }
0x43: {  	_ =	swait.ge [sflag:s0], $0x320  }
0x44: {  	[sflag:s0] =	ssyncset.done $0x0  }
0x45: {  	[sflag:s0] =	ssyncadd.s32 $0xFFFFFCE0  }
0x46: {  	_ =	swait.ge [sflag:s0], $0x320  }
0x47: {  	[sflag:s0] =	ssyncset.done $0x0  }
0x48: {  	[sflag:s0] =	ssyncadd.s32 $0xFFFFFCE0  }
0x49: {  	_ =	swait.ge [sflag:s0], $0x320  }
0x4a: {  	[sflag:s0] =	ssyncset.done $0x0  }
0x4b: {  	[sflag:s0] =	ssyncadd.s32 $0xFFFFFCE0  }
0x4c: {  	_ =	swait.ge [sflag:s0], $0x320  }
0x4d: {  	[sflag:s0] =	ssyncset.done $0x0  }
0x4e: {  	[sflag:s0] =	ssyncadd.s32 $0xFFFFFCE0  }
0x4f: {  	s29 =	smul.u32 $0x640, s28;
	_ =	swait.ge [sflag:s0], $0x320  }
0x50: {  	s1 =	rddreg [dreg:$0x11];
	[sflag:s0] =	ssyncset.done $0x0  }
0x51: {  	s1 =	sadd.s32 s29, s1;
	[sflag:s0] =	ssyncadd.s32 $0xFFFFFCE0  }
0x52: {  	s1 =	sshrl.u32 s1, $0x3;
	s3 =	rddreg [dreg:$0x1]  }
0x53: {  	s4 =	rddreg [dreg:$0x2];
	s3 =	sadd.s32 s3, s1  }
0x54: {  	[tilespmem:s2], [sflag:$0x2] =	stream.linear.gather [hbm4b:s3+s9], $0x320, $0x38;
	[tilespmem:$0x1FF30] =	vst v63  }
0x55: {  	s3 =	sadd.s32 s4, s1;
	s4 =	simm.s32 $0x19CE0  }
0x56: {  	[tilespmem:s4], [sflag:$0x2] =	stream.linear.gather [hbm4b:s3+s9], $0x320, $0x38;
	[tilespmem:$0x1FF30] =	vst v63  }
0x57: {  	s6 =	simm.s32 $0x1A000;
	s5 =	sadd.s32 s22, s1  }
0x58: {  	[tilespmem:s6], [sflag:$0x2] =	stream.linear.gather [hbm4b:s5+s9], $0x320, $0x38;
	[tilespmem:$0x1FF30] =	vst v63  }
0x59: {  	s8 =	simm.s32 $0x1A320;
	s7 =	sadd.s32 s10, s1  }
0x5a: {  	[tilespmem:s8], [sflag:$0x2] =	stream.linear.gather [hbm4b:s7+s9], $0x320, $0x38;
	[tilespmem:$0x1FF30] =	vst v63  }
0x5b: {  	s14 =	simm.s32 $0x1A640;
	s13 =	sadd.s32 s11, s1  }
0x5c: {  	[tilespmem:s14], [sflag:$0x2] =	stream.linear.gather [hbm4b:s13+s9], $0x320, $0x38;
	[tilespmem:$0x1FF30] =	vst v63  }
0x5d: {  	s15 =	simm.s32 $0x1A960;
	s16 =	simm.s32 $0x18A40;
	s1 =	sadd.s32 s12, s1  }
0x5e: {  	[tilespmem:s15], [sflag:$0x2] =	stream.linear.gather [hbm4b:s1+s9], $0x320, $0x38;
	[tilespmem:$0x1FF30] =	vst v63  }
0x5f: {  	s17 =	simm.s32 $0x18720;
	v0 =	vld [tilespmem:s16+$0xFFFFFFE0]  }
0x60: {  	v1 =	vld [tilespmem:s17+$0xFFFFFFE0]  }
0x61: {  	v2 =	vld [tilespmem:s17+$0xFFFFFFF0]  }
0x62: {  	v3 =	vld [tilespmem:s16+$0xFFFFFFF0];
	_ =	sdelay $0x1  }
0x63: {  	v4 =	vld [tilespmem:s17+$0x0]  }
0x64: {  	v5 =	vld [tilespmem:s17+$0x10]  }
0x65: {  	v6 =	vld [tilespmem:s16+$0x0]  }
0x66: {  	v9 =	vld.idx.msk [tilespmem:v0+s9+$0x0], $0xffff  }
0x67: {  	v0 =	vld.idx.msk [tilespmem:v1+s9+$0x0], $0xffff  }
0x68: {  	v1 =	vld.idx.msk [tilespmem:v2+s9+$0x0], $0xffff  }
0x69: {  	s21 =	simm.s32 $0x18D60;
	v7 =	vld.idx.msk [tilespmem:v3+s9+$0x0], $0xffff  }
0x6a: {  	v2 =	vld [tilespmem:s21+$0xFFFFFFE0]  }
0x6b: {  	v3 =	vld [tilespmem:s16+$0x10]  }
0x6c: {  	v11 =	vld [tilespmem:s21+$0xFFFFFFF0]  }
0x6d: {  	v4 =	vld.idx.msk [tilespmem:v4+s9+$0x0], $0xffff;
	v8 =	vshll.u32 v9, $0x10;
	v0 =	vshll.u32 v0, $0x10  }
0x6e: {  	v10 =	vld.idx.msk [tilespmem:v6+s9+$0x0], $0xffff;
	v0 =	vmul.f32 v8, v0  }
0x6f: {  	v1 =	vshll.u32 v1, $0x10;
	v8 =	vshll.u32 v7, $0x10  }
0x70: {  	v1 =	vmul.f32 v8, v1;
	v0 =	vmul.f32 v0, v2;
	_ =	sdelay $0x1  }
0x71: {  	v13 =	vld [tilespmem:s21+$0x0];
	v1 =	vmul.f32 v1, v11;
	v6 =	vshrl.u32 v0, $0x1;
	v12 =	vmul.f32 $5.000000000e-01, v0  }
0x72: {  	v16 =	vshll.u32 v10, $0x10;
	v8 =	vld.idx.msk [tilespmem:v3+s9+$0x0], $0xffff;
	v3 =	vshll.u32 v4, $0x10;
	v6 =	vsub.s32 $0x5F3759DF, v6  }
0x73: {  	v5 =	vld.idx.msk [tilespmem:v5+s9+$0x0], $0xffff;
	v4 =	vshrl.u32 v1, $0x1;
	v15 =	vmul.f32 $5.000000000e-01, v1;
	v14 =	vmul.f32 v6, v12  }
0x74: {  	v3 =	vmul.f32 v16, v3;
	v4 =	vsub.s32 $0x5F3759DF, v4  }
0x75: {  	v16 =	vmul.f32 v4, v15;
	v14 =	vmul.f32 v6, v14;
	_ =	sdelay $0x1  }
0x76: {  	v17 =	vld [tilespmem:s21+$0x10];
	v16 =	vmul.f32 v4, v16;
	v14 =	vsub.f32 $1.500000000e+00, v14  }
0x77: {  	v5 =	vshll.u32 v5, $0x10;
	v0 =	vmul.f32 v0, v0;
	v3 =	vmul.f32 v3, v13  }
0x78: {  	v18 =	vshll.u32 v8, $0x10;
	v16 =	vsub.f32 $1.500000000e+00, v16;
	v6 =	vmul.f32 v6, v14  }
0x79: {  	v19 =	vmul.f32 $5.000000000e-01, v3;
	v5 =	vmul.f32 v18, v5;
	v14 =	vshrl.u32 v3, $0x1  }
0x7a: {  	v14 =	vsub.s32 $0x5F3759DF, v14;
	v4 =	vmul.f32 v4, v16;
	v12 =	vmul.f32 v6, v12  }
0x7b: {  	v5 =	vmul.f32 v5, v17;
	v18 =	vmul.f32 v14, v19  }
0x7c: {  	v15 =	vmul.f32 v4, v15;
	v12 =	vmul.f32 v12, v6  }
0x7d: {  	v1 =	vmul.f32 v1, v1;
	v16 =	vmul.f32 v14, v18  }
0x7e: {  	v20 =	vmul.f32 $5.000000000e-01, v5;
	v15 =	vmul.f32 v15, v4;
	v12 =	vsub.f32 $1.500000000e+00, v12  }
0x7f: {  	v3 =	vmul.f32 v3, v3;
	v18 =	vshrl.u32 v5, $0x1;
	v16 =	vsub.f32 $1.500000000e+00, v16  }
0x80: {  	v18 =	vsub.s32 $0x5F3759DF, v18;
	v15 =	vsub.f32 $1.500000000e+00, v15;
	v6 =	vmul.f32 v12, v6  }
0x81: {  	v12 =	vmul.f32 v18, v20;
	v14 =	vmul.f32 v14, v16  }
0x82: {  	s25 =	simm.s32 $0x18760;
	v4 =	vmul.f32 v15, v4;
	v0 =	vmul.f32 v6, v0  }
0x83: {  	v15 =	vld [tilespmem:s25+$0xFFFFFFF0];
	v6 =	vmul.f32 v14, v19;
	v12 =	vmul.f32 v18, v12  }
0x84: {  	s26 =	simm.s32 $0x18A80;
	v21 =	vld [tilespmem:s25+$0x0];
	v5 =	vmul.f32 v5, v5;
	v0 =	vmul.f32 $-6.999999880e-01, v0  }
0x85: {  	v16 =	vld [tilespmem:s26+$0xFFFFFFE0];
	v1 =	vmul.f32 v4, v1;
	v4 =	vmul.f32 v6, v14;
	v12 =	vsub.f32 $1.500000000e+00, v12  }
0x86: {  	v19 =	vld [tilespmem:s25+$0x10];
	v6 =	vmul.f32 v2, v2;
	v0 =	vmul.f32 $1.442695020e+00, v0  }
0x87: {  	v22 =	vld [tilespmem:s26+$0x0];
	v1 =	vmul.f32 $-6.999999880e-01, v1;
	v4 =	vsub.f32 $1.500000000e+00, v4;
	v12 =	vmul.f32 v18, v12  }
0x88: {  	v18 =	vld [tilespmem:s25+$0xFFFFFFE0];
	v2 =	vmul.f32 v6, v2;
	(erf) = vpow2.f32 v0  }
0x89: {  	v0 =	vmul.f32 $1.442695020e+00, v1;
	v1 =	vmul.f32 v4, v14;
	v14 =	vld [tilespmem:s26+$0xFFFFFFF0]  }
0x8a: {  	v23 =	vld [tilespmem:s26+$0x10];
	v4 =	vmul.f32 v11, v11;
	v20 =	vmul.f32 v12, v20  }
0x8b: {  	v6 =	vld.idx.msk [tilespmem:v15+s9+$0x0], $0xffff;
	v15 =	vmul.f32 v13, v13;
	(erf) = vpow2.f32 v0  }
0x8c: {  	v0 =	vmul.f32 v1, v3;
	v3 =	vmul.f32 v20, v12  }
0x8d: {  	v1 =	vld.idx.msk [tilespmem:v16+s9+$0x0], $0xffff;
	v11 =	vmul.f32 v4, v11;
	v16 =	vmul.f32 v17, v17  }
0x8e: {  	v4 =	vld.idx.msk [tilespmem:v19+s9+$0x0], $0xffff;
	(erf) = vrcp.f32 v2;
	v0 =	vmul.f32 $-6.999999880e-01, v0;
	v3 =	vsub.f32 $1.500000000e+00, v3  }
0x8f: {  	v19 =	vld.idx.msk [tilespmem:v21+s9+$0x0], $0xffff;
	v13 =	vmul.f32 v15, v13;
	v15 =	vmul.f32 v16, v17  }
0x90: {  	v2 =	vmul.f32 $1.442695020e+00, v0;
	v12 =	vmul.f32 v3, v12;
	v16 =	vld.idx.msk [tilespmem:v18+s9+$0x0], $0xffff  }
0x91: {  	v9 =	vand.u32 $0xFFFF0000, v9;
	v6 =	vshll.u32 v6, $0x10;
	v3 =	vld.idx.msk [tilespmem:v14+s9+$0x0], $0xffff  }
0x92: {  	v0 =	vld.idx.msk [tilespmem:v22+s9+$0x0], $0xffff;
	v5 =	vmul.f32 v12, v5;
	v12 =	vshll.u32 v1, $0x10;
	v17 =	vpop (erf);
	(erf) = vpow2.f32 v2  }
0x93: {  	s3 =	simm.s32 $0x18DA0;
	v2 =	vld.idx.msk [tilespmem:v23+s9+$0x0], $0xffff;
	v14 =	vsub.f32 $1.000000000e+00, v17;
	v17 =	vshll.u32 v4, $0x10;
	(erf) = vrcp.f32 v15  }
0x94: {  	v15 =	vmul.f32 $-6.999999880e-01, v5;
	v5 =	vld [tilespmem:s3+$0xFFFFFFF0];
	v4 =	vpop (erf);
	(erf) = vrcp.f32 v13;
	v13 =	vshll.u32 v19, $0x10  }
0x95: {  	v9 =	vmul.f32 v9, v14;
	v14 =	vld [tilespmem:s3+$0xFFFFFFE0];
	v18 =	vsub.f32 $1.000000000e+00, v4;
	(erf) = vrcp.f32 v11  }
0x96: {  	v4 =	vld [tilespmem:s3+$0x0];
	v11 =	vshll.u32 v16, $0x10;
	v15 =	vmul.f32 $1.442695020e+00, v15;
	v16 =	vshll.u32 v3, $0x10  }
0x97: {  	s14 =	simm.s32 $0x19080;
	v11 =	vmul.f32 v12, v11;
	v12 =	vshll.u32 v0, $0x10;
	v9 =	vmul.f32 $-2.800285220e-01, v9  }
0x98: {  	v19 =	vld [tilespmem:s14+$0xFFFFFFE0];
	v16 =	vmul.f32 v16, v6;
	(erf) = vpow2.f32 v15;
	v15 =	vshll.u32 v2, $0x10  }
0x99: {  	v6 =	vpop (erf);
	v12 =	vmul.f32 v12, v13;
	v17 =	vmul.f32 v15, v17  }
0x9a: {  	v6 =	vmul.f32 v9, v6;
	v13 =	vmul.f32 v16, v5  }
0x9b: {  	v7 =	vand.u32 $0xFFFF0000, v7;
	v11 =	vmul.f32 v11, v14;
	v22 =	vmul.f32 v12, v4  }
0x9c: {  	v12 =	vmul.f32 v7, v18;
	v9 =	vmul.f32 v14, v14  }
0x9d: {  	v16 =	vshrl.u32 v13, $0x1;
	v26 =	vmul.f32 $5.000000000e-01, v13;
	v19 =	vmul.f32 v6, v19  }
0x9e: {  	v7 =	vshrl.u32 v11, $0x1;
	v18 =	vmul.f32 $5.000000000e-01, v11;
	v25 =	vsub.s32 $0x5F3759DF, v16  }
0x9f: {  	v24 =	vld [tilespmem:s14+$0xFFFFFFF0];
	v21 =	vpop (erf);
	v15 =	vmul.f32 v11, v11;
	v23 =	vsub.s32 $0x5F3759DF, v7;
	v11 =	vmul.f32 v25, v26  }
0xa0: {  	v27 =	vpop (erf);
	v9 =	vmul.f32 v9, v14;
	v7 =	vld [tilespmem:s3+$0x10];
	v16 =	vmul.f32 v23, v18  }
0xa1: {  	v30 =	vand.u32 $0xFFFF0000, v8;
	s26 =	simm.s32 $0x1ACA0;
	v14 =	vmul.f32 $-2.800285220e-01, v12;
	v12 =	vpop (erf);
	v32 =	vmul.f32 v25, v11  }
0xa2: {  	s7 =	simm.s32 $0x193A0;
	v20 =	vshrl.u32 v22, $0x1;
	[tilespmem:s26+$0xFFFFFFE0] =	vst v19;
	v28 =	vpop (erf);
	v19 =	vmul.f32 v23, v16;
	v16 =	vmul.f32 $5.000000000e-01, v22  }
0xa3: {  	v20 =	vsub.s32 $0x5F3759DF, v20;
	v29 =	vld [tilespmem:s7+$0xFFFFFFE0];
	v31 =	vpop (erf);
	v8 =	vmul.f32 v14, v28;
	v22 =	vmul.f32 v22, v22  }
0xa4: {  	v14 =	vsub.f32 $1.000000000e+00, v31;
	v19 =	vsub.f32 $1.500000000e+00, v19;
	v28 =	vmul.f32 v20, v16  }
0xa5: {  	v11 =	vmul.f32 v17, v7;
	v17 =	vsub.f32 $1.500000000e+00, v32;
	v31 =	vmul.f32 v8, v24  }
0xa6: {  	v14 =	vmul.f32 v30, v14;
	v24 =	vmul.f32 v23, v19  }
0xa7: {  	v30 =	vmul.f32 v20, v28;
	v19 =	vsub.f32 $1.000000000e+00, v21;
	v25 =	vmul.f32 v25, v17  }
0xa8: {  	v10 =	vand.u32 $0xFFFF0000, v10;
	v17 =	vmul.f32 v6, v29;
	v28 =	vmul.f32 v24, v18  }
0xa9: {  	s16 =	simm.s32 $0x1AFC0;
	[tilespmem:s26+$0xFFFFFFF0] =	vst v31;
	v23 =	vld [tilespmem:s14+$0x10];
	v18 =	vmul.f32 $5.000000000e-01, v11;
	v63 =	vmul.f32 v10, v19  }
0xaa: {  	s4 =	simm.s32 $0x193E0;
	v21 =	vshrl.u32 v11, $0x1;
	v10 =	vmul.f32 $-2.800285220e-01, v14;
	v26 =	vmul.f32 v25, v26;
	[tilespmem:s16+$0xFFFFFFE0] =	vst v17;
	v17 =	vld [tilespmem:s7+$0xFFFFFFF0]  }
0xab: {  	s5 =	simm.s32 $0x1ACA0;
	s8 =	simm.s32 $0x187A0;
	s17 =	simm.s32 $0x196C0;
	v21 =	vsub.s32 $0x5F3759DF, v21;
	v19 =	vmul.f32 v5, v5;
	v31 =	vmul.f32 v28, v24  }
0xac: {  	s13 =	simm.s32 $0x1B320;
	s15 =	simm.s32 $0x1B000;
	s1 =	simm.s32 $0x19700;
	v29 =	vsub.f32 $1.500000000e+00, v30;
	v14 =	vld [tilespmem:s17+$0xFFFFFFE0];
	v28 =	vmul.f32 v21, v18;
	v10 =	vmul.f32 v10, v27  }
0xad: {  	s6 =	simm.s32 $0x4;
	s21 =	simm.s32 $0x18AC0;
	s25 =	simm.s32 $0x1B2E0;
	v27 =	vmul.f32 $-2.800285220e-01, v63;
	v30 =	vsub.f32 $1.500000000e+00, v31;
	v31 =	vmul.f32 v26, v25;
	v26 =	vld [tilespmem:s14+$0x0]  }
.LBB2_3:
0xae: {  	v32 =	vld [tilespmem:s21+$0xFFFFFFE0];
	s6 =	sadd.s32 $0x4, s6;
	v20 =	vmul.f32 v20, v29;
	v23 =	vmul.f32 v10, v23;
	s14 =	sadd.s32 $0x40, s14;
	s26 =	sadd.s32 $0x40, s26  }
0xaf: {  	v13 =	vmul.f32 v13, v13;
	v29 =	vld [tilespmem:s8+$0xFFFFFFF0];
	p0 =	slt.u32 s6, $0x2C;
	v31 =	vsub.f32 $1.500000000e+00, v31;
	v17 =	vmul.f32 v8, v17  }
0xb0: {  	v24 =	vmul.f32 v30, v24;
	v12 =	vmul.f32 v27, v12;
	v33 =	vld [tilespmem:s8+$0x0];
	[tilespmem:s5+$0x10] =	vst v23  }
0xb1: {  	v6 =	vmul.f32 v6, v14;
	v23 =	vmul.f32 v31, v25;
	[tilespmem:s16+$0xFFFFFFF0] =	vst v17;
	v14 =	vld [tilespmem:s7+$0x10]  }
0xb2: {  	v15 =	vmul.f32 v24, v15;
	v17 =	vld [tilespmem:s17+$0xFFFFFFF0];
	v24 =	vmul.f32 v12, v26  }
0xb3: {  	v16 =	vmul.f32 v20, v16;
	v25 =	vld [tilespmem:s8+$0xFFFFFFE0];
	v13 =	vmul.f32 v23, v13;
	[tilespmem:s25+$0xFFFFFFE0] =	vst v6  }
0xb4: {  	v15 =	vmul.f32 $-6.999999880e-01, v15;
	v23 =	vmul.f32 v21, v28;
	v6 =	vld [tilespmem:s8+$0x10];
	[tilespmem:s5+$0x0] =	vst v24;
	s5 =	smov.u32 s26  }
0xb5: {  	v16 =	vmul.f32 v16, v20;
	v13 =	vmul.f32 $-6.999999880e-01, v13;
	v24 =	vld [tilespmem:s7+$0x0];
	s7 =	smov.u32 s4  }
0xb6: {  	v15 =	vmul.f32 $1.442695020e+00, v15;
	v23 =	vsub.f32 $1.500000000e+00, v23;
	v26 =	vld [tilespmem:s21+$0x10];
	v14 =	vmul.f32 v10, v14  }
0xb7: {  	v16 =	vsub.f32 $1.500000000e+00, v16;
	v27 =	vld [tilespmem:s21+$0x0];
	v13 =	vmul.f32 $1.442695020e+00, v13;
	v8 =	vmul.f32 v8, v17  }
0xb8: {  	v21 =	vmul.f32 v21, v23;
	v17 =	vld [tilespmem:s21+$0xFFFFFFF0];
	(erf) = vpow2.f32 v15;
	[tilespmem:s16+$0x10] =	vst v14  }
0xb9: {  	v14 =	vmul.f32 v16, v20;
	(erf) = vpow2.f32 v13;
	[tilespmem:s25+$0xFFFFFFF0] =	vst v8;
	v8 =	vld [tilespmem:s17+$0x10]  }
0xba: {  	s3 =	sadd.s32 $0x40, s3;
	v15 =	vmul.f32 v21, v18;
	v13 =	vld.idx.msk [tilespmem:v29+s9+$0x0], $0xffff;
	v16 =	vmul.f32 v12, v24  }
0xbb: {  	v5 =	vmul.f32 v19, v5;
	v14 =	vmul.f32 v14, v22;
	v18 =	vld.idx.msk [tilespmem:v32+s9+$0x0], $0xffff  }
0xbc: {  	v19 =	vmul.f32 v4, v4;
	v15 =	vmul.f32 v15, v21;
	v6 =	vld.idx.msk [tilespmem:v6+s9+$0x0], $0xffff;
	[tilespmem:s16+$0x0] =	vst v16;
	s16 =	smov.u32 s15  }
0xbd: {  	v20 =	vmul.f32 v7, v7;
	v14 =	vmul.f32 $-6.999999880e-01, v14;
	v16 =	vld.idx.msk [tilespmem:v33+s9+$0x0], $0xffff  }
0xbe: {  	v23 =	vsub.f32 $1.500000000e+00, v15;
	(erf) = vrcp.f32 v9;
	v9 =	vld [tilespmem:s17+$0x0];
	v8 =	vmul.f32 v10, v8;
	s17 =	smov.u32 s1  }
0xbf: {  	v19 =	vmul.f32 v19, v4;
	v14 =	vmul.f32 $1.442695020e+00, v14;
	v10 =	vld.idx.msk [tilespmem:v27+s9+$0x0], $0xffff  }
0xc0: {  	v22 =	vand.u32 $0xFFFF0000, v1;
	v4 =	vmul.f32 v20, v7;
	v23 =	vmul.f32 v23, v21;
	v17 =	vld.idx.msk [tilespmem:v17+s9+$0x0], $0xffff;
	[tilespmem:s25+$0x10] =	vst v8  }
0xc1: {  	v11 =	vmul.f32 v11, v11;
	v8 =	vshll.u32 v18, $0x10;
	v7 =	vld.idx.msk [tilespmem:v25+s9+$0x0], $0xffff;
	v15 =	vpop (erf);
	(erf) = vpow2.f32 v14  }
0xc2: {  	v21 =	vshll.u32 v6, $0x10;
	v14 =	vld.idx.msk [tilespmem:v26+s9+$0x0], $0xffff;
	v6 =	vsub.f32 $1.000000000e+00, v15;
	v15 =	vpop (erf);
	(erf) = vrcp.f32 v4  }
0xc3: {  	v13 =	vshll.u32 v13, $0x10;
	v1 =	vmovc v18;
	v11 =	vmul.f32 v23, v11;
	v9 =	vmul.f32 v12, v9  }
0xc4: {  	v12 =	vsub.f32 $1.000000000e+00, v15;
	v4 =	vld [tilespmem:s3+$0x0];
	v6 =	vmul.f32 v22, v6;
	(erf) = vrcp.f32 v19  }
0xc5: {  	v16 =	vshll.u32 v16, $0x10;
	v11 =	vmul.f32 $-6.999999880e-01, v11;
	v15 =	vld [tilespmem:s3+$0xFFFFFFE0];
	(erf) = vrcp.f32 v5;
	[tilespmem:s25+$0x0] =	vst v9;
	s25 =	smov.u32 s13  }
0xc6: {  	v19 =	vshll.u32 v10, $0x10;
	v9 =	vshll.u32 v17, $0x10;
	v5 =	vld [tilespmem:s3+$0xFFFFFFF0];
	v6 =	vmul.f32 $-2.800285220e-01, v6  }
0xc7: {  	v16 =	vmul.f32 v19, v16;
	v11 =	vmul.f32 $1.442695020e+00, v11;
	v7 =	vshll.u32 v7, $0x10;
	v18 =	vpop (erf)  }
0xc8: {  	v19 =	vmul.f32 v8, v7;
	v8 =	vshll.u32 v14, $0x10;
	v6 =	vmul.f32 v6, v18  }
0xc9: {  	v9 =	vmul.f32 v9, v13;
	v18 =	vld [tilespmem:s14+$0xFFFFFFE0];
	(erf) = vpow2.f32 v11  }
0xca: {  	v20 =	vand.u32 $0xFFFF0000, v3;
	v22 =	vmul.f32 v16, v4;
	v11 =	vmul.f32 v19, v15;
	v7 =	vpop (erf)  }
0xcb: {  	v16 =	vmul.f32 v20, v12;
	v13 =	vmul.f32 v9, v5;
	v19 =	vsub.f32 $1.000000000e+00, v7;
	v26 =	vpop (erf)  }
0xcc: {  	v3 =	vmovc v17;
	v9 =	vmul.f32 v15, v15;
	v7 =	vshrl.u32 v11, $0x1;
	v23 =	vmul.f32 $5.000000000e-01, v11  }
0xcd: {  	v20 =	vshrl.u32 v22, $0x1;
	v17 =	vshrl.u32 v13, $0x1;
	v27 =	vmul.f32 $5.000000000e-01, v13;
	v12 =	vpop (erf)  }
0xce: {  	v20 =	vsub.s32 $0x5F3759DF, v20;
	v24 =	vsub.s32 $0x5F3759DF, v7;
	v18 =	vmul.f32 v6, v18;
	v25 =	vpop (erf)  }
0xcf: {  	v28 =	vmul.f32 $-2.800285220e-01, v16;
	v9 =	vmul.f32 v9, v15;
	v17 =	vsub.s32 $0x5F3759DF, v17;
	v7 =	vld [tilespmem:s3+$0x10]  }
0xd0: {  	v21 =	vmul.f32 v8, v21;
	v16 =	vmul.f32 v24, v23;
	[tilespmem:s26+$0xFFFFFFE0] =	vst v18;
	v18 =	vld [tilespmem:s14+$0xFFFFFFF0]  }
0xd1: {  	v30 =	vand.u32 $0xFFFF0000, v0;
	v0 =	vmovc v10;
	v15 =	vmul.f32 v11, v11;
	v8 =	vmul.f32 v17, v27  }
0xd2: {  	v31 =	vand.u32 $0xFFFF0000, v2;
	v10 =	vmul.f32 v24, v16;
	v16 =	vmul.f32 $5.000000000e-01, v22;
	v29 =	vld [tilespmem:s4+$0xFFFFFFE0];
	v2 =	vpop (erf)  }
0xd3: {  	v32 =	vmul.f32 v17, v8;
	v8 =	vmul.f32 v28, v25;
	v25 =	vsub.f32 $1.000000000e+00, v2;
	v2 =	vmovc v14  }
0xd4: {  	v10 =	vsub.f32 $1.500000000e+00, v10;
	v14 =	vmul.f32 v20, v16;
	v11 =	vmul.f32 v21, v7  }
0xd5: {  	v21 =	vsub.f32 $1.500000000e+00, v32;
	v18 =	vmul.f32 v8, v18;
	v28 =	vmul.f32 v31, v25  }
0xd6: {  	v24 =	vmul.f32 v24, v10;
	v10 =	vmul.f32 v20, v14;
	v14 =	vshrl.u32 v11, $0x1  }
0xd7: {  	v25 =	vmul.f32 v17, v21;
	v21 =	vsub.s32 $0x5F3759DF, v14;
	v14 =	vmul.f32 v6, v29;
	[tilespmem:s26+$0xFFFFFFF0] =	vst v18  }
0xd8: {  	v17 =	vmul.f32 v24, v23;
	v29 =	vsub.f32 $1.500000000e+00, v10;
	v18 =	vmul.f32 $5.000000000e-01, v11  }
.Ltmp0:
0xd9: {  	v32 =	vmul.f32 v30, v19;
	v10 =	vmul.f32 $-2.800285220e-01, v28;
	[tilespmem:s15+$0xFFFFFFE0] =	vst v14;
	v23 =	vld [tilespmem:s14+$0x10];
	(pc) =	sbr.rel @p0 .LBB2_3-.Ltmp0, $4  }
0xda: {  	v30 =	vmul.f32 v17, v24;
	v27 =	vmul.f32 v25, v27;
	v17 =	vld [tilespmem:s4+$0xFFFFFFF0]  }
0xdb: {  	v19 =	vmul.f32 v5, v5;
	v28 =	vmul.f32 v21, v18;
	v14 =	vld [tilespmem:s1+$0xFFFFFFE0]  }
0xdc: {  	s13 =	sadd.s32 $0x40, s13;
	v22 =	vmul.f32 v22, v22;
	v10 =	vmul.f32 v10, v26;
	s15 =	sadd.s32 $0x40, s15;
	s1 =	sadd.s32 $0x40, s1  }
0xdd: {  	s8 =	sadd.s32 $0x40, s8;
	s21 =	sadd.s32 $0x40, s21;
	v30 =	vsub.f32 $1.500000000e+00, v30;
	v31 =	vmul.f32 v27, v25;
	v27 =	vmul.f32 $-2.800285220e-01, v32;
	s4 =	sadd.s32 $0x40, s4;
	v26 =	vld [tilespmem:s14+$0x0]  }
0xde: {  	v20 =	vmul.f32 v20, v29;
	v28 =	vmul.f32 v21, v28  }
0xdf: {  	v58 =	vsub.f32 $1.500000000e+00, v31;
	v24 =	vmul.f32 v30, v24  }
0xe0: {  	v13 =	vmul.f32 v13, v13;
	v16 =	vmul.f32 v20, v16;
	v28 =	vsub.f32 $1.500000000e+00, v28  }
0xe1: {  	v25 =	vmul.f32 v58, v25;
	v15 =	vmul.f32 v24, v15  }
0xe2: {  	v16 =	vmul.f32 v16, v20;
	v59 =	vmul.f32 v21, v28  }
0xe3: {  	v13 =	vmul.f32 v25, v13;
	v15 =	vmul.f32 $-6.999999880e-01, v15  }
0xe4: {  	v16 =	vsub.f32 $1.500000000e+00, v16;
	v18 =	vmul.f32 v59, v18  }
0xe5: {  	v13 =	vmul.f32 $-6.999999880e-01, v13;
	v15 =	vmul.f32 $1.442695020e+00, v15  }
0xe6: {  	v16 =	vmul.f32 v16, v20;
	v18 =	vmul.f32 v18, v59  }
0xe7: {  	v62 =	vmul.f32 v4, v4;
	v13 =	vmul.f32 $1.442695020e+00, v13  }
0xe8: {  	(erf) = vpow2.f32 v15;
	v60 =	vmul.f32 v16, v22;
	v61 =	vsub.f32 $1.500000000e+00, v18  }
0xe9: {  	v11 =	vmul.f32 v11, v11;
	(erf) = vpow2.f32 v13  }
0xea: {  	v15 =	vmul.f32 $-6.999999880e-01, v60;
	v13 =	vmul.f32 v61, v59  }
0xeb: {  	v63 =	vmul.f32 v7, v7;
	v4 =	vmul.f32 v62, v4  }
0xec: {  	v20 =	vmul.f32 $1.442695020e+00, v15;
	v11 =	vmul.f32 v13, v11  }
0xed: {  	v7 =	vmul.f32 v63, v7;
	(erf) = vrcp.f32 v9  }
0xee: {  	(erf) = vpow2.f32 v20;
	v21 =	vmul.f32 $-6.999999880e-01, v11  }
0xef: {  	v5 =	vmul.f32 v19, v5;
	(erf) = vrcp.f32 v7  }
0xf0: {  	(erf) = vrcp.f32 v4;
	v22 =	vmul.f32 $1.442695020e+00, v21  }
0xf1: {  	(erf) = vrcp.f32 v5  }
0xf2: {  	(erf) = vpow2.f32 v22;
	_ =	sdelay $0x1  }
0xf3: {  	v24 =	vpop (erf)  }
0xf4: {  	v25 =	vpop (erf)  }
0xf5: {  	v28 =	vpop (erf)  }
0xf6: {  	v29 =	vpop (erf)  }
0xf7: {  	v30 =	vpop (erf)  }
0xf8: {  	v32 =	vmul.f32 v10, v23;
	v1 =	vand.u32 $0xFFFF0000, v1;
	v4 =	vsub.f32 $1.000000000e+00, v24;
	v31 =	vpop (erf)  }
0xf9: {  	v3 =	vand.u32 $0xFFFF0000, v3;
	v12 =	vmul.f32 v27, v12;
	v5 =	vsub.f32 $1.000000000e+00, v25;
	v33 =	vpop (erf)  }
0xfa: {  	s3 =	sadd.s32 $0x40, s14;
	v0 =	vand.u32 $0xFFFF0000, v0;
	v1 =	vmul.f32 v1, v4;
	v38 =	vsub.f32 $1.000000000e+00, v29;
	v35 =	vpop (erf)  }
0xfb: {  	v37 =	vld [tilespmem:s3+$0xFFFFFFE0];
	v34 =	vmul.f32 v12, v26;
	v3 =	vmul.f32 v3, v5;
	v36 =	vsub.f32 $1.000000000e+00, v35  }
0xfc: {  	v2 =	vand.u32 $0xFFFF0000, v2;
	v39 =	vld [tilespmem:s3+$0xFFFFFFF0];
	v1 =	vmul.f32 $-2.800285220e-01, v1;
	v0 =	vmul.f32 v0, v38  }
0xfd: {  	v41 =	vld [tilespmem:s3+$0x0];
	v3 =	vmul.f32 $-2.800285220e-01, v3;
	v2 =	vmul.f32 v2, v36  }
0xfe: {  	v40 =	vld [tilespmem:s3+$0x10];
	v1 =	vmul.f32 v1, v28;
	v0 =	vmul.f32 $-2.800285220e-01, v0  }
0xff: {  	v3 =	vmul.f32 v3, v33;
	v2 =	vmul.f32 $-2.800285220e-01, v2  }
0x100: {  	[tilespmem:s5+$0x10] =	vst v32;
	v7 =	vmul.f32 v1, v37;
	v0 =	vmul.f32 v0, v31  }
0x101: {  	s26 =	sadd.s32 $0x40, s26;
	v42 =	vld [tilespmem:s7+$0x10];
	[tilespmem:s5+$0x0] =	vst v34;
	v9 =	vmul.f32 v3, v39;
	v2 =	vmul.f32 v2, v30  }
0x102: {  	v43 =	vld [tilespmem:s7+$0x0];
	[tilespmem:s26+$0xFFFFFFE0] =	vst v7;
	v5 =	vmul.f32 v0, v41  }
0x103: {  	v7 =	vld [tilespmem:s4+$0xFFFFFFE0];
	[tilespmem:s26+$0xFFFFFFF0] =	vst v9;
	v4 =	vmul.f32 v2, v40  }
0x104: {  	v9 =	vld [tilespmem:s4+$0xFFFFFFF0];
	[tilespmem:s26+$0x0] =	vst v5  }
0x105: {  	v44 =	vmul.f32 v8, v17;
	v47 =	vld [tilespmem:s4+$0x0];
	[tilespmem:s26+$0x10] =	vst v4  }
0x106: {  	v46 =	vmul.f32 v10, v42;
	v45 =	vld [tilespmem:s4+$0x10]  }
0x107: {  	[tilespmem:s16+$0xFFFFFFF0] =	vst v44;
	v48 =	vmul.f32 v12, v43  }
0x108: {  	v49 =	vld [tilespmem:s17+$0xFFFFFFF0];
	[tilespmem:s16+$0x10] =	vst v46;
	v50 =	vmul.f32 v1, v7  }
0x109: {  	v51 =	vld [tilespmem:s17+$0x10];
	[tilespmem:s16+$0x0] =	vst v48;
	v52 =	vmul.f32 v3, v9  }
0x10a: {  	v53 =	vld [tilespmem:s17+$0x0];
	[tilespmem:s15+$0xFFFFFFE0] =	vst v50;
	v56 =	vmul.f32 v0, v47  }
0x10b: {  	v55 =	vld [tilespmem:s1+$0xFFFFFFE0];
	[tilespmem:s15+$0xFFFFFFF0] =	vst v52;
	v54 =	vmul.f32 v2, v45  }
0x10c: {  	v6 =	vmul.f32 v6, v14;
	v57 =	vld [tilespmem:s1+$0xFFFFFFF0];
	[tilespmem:s15+$0x0] =	vst v56  }
0x10d: {  	v58 =	vmul.f32 v8, v49;
	v61 =	vld [tilespmem:s1+$0x0];
	[tilespmem:s15+$0x10] =	vst v54  }
0x10e: {  	[tilespmem:s25+$0xFFFFFFE0] =	vst v6;
	v60 =	vmul.f32 v10, v51;
	v59 =	vld [tilespmem:s1+$0x10]  }
0x10f: {  	[tilespmem:s25+$0xFFFFFFF0] =	vst v58;
	v62 =	vmul.f32 v12, v53  }
0x110: {  	[tilespmem:s25+$0x10] =	vst v60;
	v1 =	vmul.f32 v1, v55  }
0x111: {  	[tilespmem:s25+$0x0] =	vst v62;
	v3 =	vmul.f32 v3, v57  }
0x112: {  	[tilespmem:s13+$0xFFFFFFE0] =	vst v1;
	v0 =	vmul.f32 v0, v61  }
0x113: {  	[tilespmem:s13+$0xFFFFFFF0] =	vst v3;
	v63 =	vmul.f32 v2, v59  }
0x114: {  	[tilespmem:s13+$0x0] =	vst v0  }
0x115: {  	s1 =	simm.s32 $0xC00;
	[tilespmem:s13+$0x10] =	vst v63  }
.LBB2_5:
0x116: {  	s3 =	sshra.s32 s1, $0x2  }
0x117: {  	v0 =	vld [tilespmem:s3+$0x18700]  }
0x118: {  	v1 =	vld [tilespmem:s3+$0x18A20];
	_ =	sdelay $0x6  }
0x119: {  	v0 =	vld.idx.msk [tilespmem:v0+s9+$0x0], $0xffff  }
0x11a: {  	v1 =	vld.idx.msk [tilespmem:v1+s9+$0x0], $0xffff;
	_ =	sdelay $0x2  }
0x11b: {  	v2 =	vld [tilespmem:s3+$0x18D40];
	_ =	sdelay $0x1  }
0x11c: {  	v0 =	vshll.u32 v0, $0x10;
	v3 =	vshll.u32 v1, $0x10  }
0x11d: {  	v0 =	vmul.f32 v3, v0;
	_ =	sdelay $0x1  }
0x11e: {  	v0 =	vmul.f32 v0, v2;
	_ =	sdelay $0x1  }
0x11f: {  	v57 =	vshrl.u32 v0, $0x1;
	v4 =	vmul.f32 $5.000000000e-01, v0  }
0x120: {  	v3 =	vsub.s32 $0x5F3759DF, v57  }
0x121: {  	v5 =	vmul.f32 v3, v4;
	_ =	sdelay $0x1  }
0x122: {  	v5 =	vmul.f32 v3, v5;
	_ =	sdelay $0x1  }
0x123: {  	v5 =	vsub.f32 $1.500000000e+00, v5;
	_ =	sdelay $0x1  }
0x124: {  	v3 =	vmul.f32 v3, v5;
	_ =	sdelay $0x1  }
0x125: {  	v4 =	vmul.f32 v3, v4;
	_ =	sdelay $0x1  }
0x126: {  	v4 =	vmul.f32 v4, v3;
	_ =	sdelay $0x1  }
0x127: {  	v4 =	vsub.f32 $1.500000000e+00, v4;
	_ =	sdelay $0x1  }
0x128: {  	v0 =	vmul.f32 v0, v0;
	v3 =	vmul.f32 v4, v3;
	_ =	sdelay $0x1  }
0x129: {  	v0 =	vmul.f32 v3, v0;
	_ =	sdelay $0x1  }
0x12a: {  	v0 =	vmul.f32 $-6.999999880e-01, v0;
	_ =	sdelay $0x1  }
0x12b: {  	v0 =	vmul.f32 $1.442695020e+00, v0;
	_ =	sdelay $0x1  }
0x12c: {  	(erf) = vpow2.f32 v0;
	_ =	sdelay $0x1  }
0x12d: {  	v58 =	vmul.f32 v2, v2;
	_ =	sdelay $0x1  }
0x12e: {  	v0 =	vmul.f32 v58, v2;
	_ =	sdelay $0x1  }
0x12f: {  	(erf) = vrcp.f32 v0;
	_ =	sdelay $0x2  }
0x130: {  	v59 =	vpop (erf)  }
0x131: {  	v0 =	vsub.f32 $1.000000000e+00, v59  }
0x132: {  	v1 =	vand.u32 $0xFFFF0000, v1  }
0x133: {  	v0 =	vmul.f32 v1, v0  }
0x134: {  	v60 =	vld [tilespmem:s3+$0x19060]  }
0x135: {  	v61 =	vld [tilespmem:s3+$0x19380];
	v0 =	vmul.f32 $-2.800285220e-01, v0  }
0x136: {  	v63 =	vld [tilespmem:s3+$0x196A0];
	v62 =	vpop (erf)  }
0x137: {  	v0 =	vmul.f32 v0, v62  }
0x138: {  	p0 =	sne.s32 s1, $0xC40  }
.Ltmp1:
0x139: {  	v1 =	vmul.f32 v0, v60;
	(pc) =	sbr.rel @p0 .LBB2_5-.Ltmp1, $4  }
0x13a: {  	v2 =	vmul.f32 v0, v61  }
0x13b: {  	v0 =	vmul.f32 v0, v63;
	[tilespmem:s3+$0x1AC80] =	vst v1  }
0x13c: {  	[tilespmem:s3+$0x1AFA0] =	vst v2  }
0x13d: {  	s1 =	sadd.s32 $0x40, s1;
	[tilespmem:s3+$0x1B2C0] =	vst v0  }
0x13e: {  	s1 =	rddreg [dreg:$0x5]  }
0x13f: {  	[spmem:s1] =	stream.indirect.scatter.add.f32 [tilespmem:s19], [sflag:$0x3], $0x1, s31, s18, $0xb8;
	[tilespmem:$0x1FF30] =	vst v63  }
0x140: {  	_ =	swait.ge [sflag:s30], $0x320  }
0x141: {  	[sflag:s30] =	ssyncset.done $0x0  }
0x142: {  	[sflag:s30] =	ssyncadd.s32 $0xFFFFFCE0  }
0x143: {  	s15 =	rddreg [dreg:$0x6]  }
0x144: {  	[spmem:s15] =	stream.indirect.scatter.add.f32 [tilespmem:s20], [sflag:$0x3], $0x1, s31, s18, $0xb8;
	[tilespmem:$0x1FF30] =	vst v63  }
0x145: {  	_ =	swait.ge [sflag:s30], $0x320  }
0x146: {  	[sflag:s30] =	ssyncset.done $0x0  }
0x147: {  	[sflag:s30] =	ssyncadd.s32 $0xFFFFFCE0  }
0x148: {  	s16 =	rddreg [dreg:$0x7]  }
0x149: {  	[spmem:s16] =	stream.indirect.scatter.add.f32 [tilespmem:s23], [sflag:$0x3], $0x1, s31, s18, $0xb8;
	[tilespmem:$0x1FF30] =	vst v63  }
0x14a: {  	_ =	swait.ge [sflag:s30], $0x320  }
0x14b: {  	[sflag:s30] =	ssyncset.done $0x0  }
0x14c: {  	[sflag:s30] =	ssyncadd.s32 $0xFFFFFCE0  }
0x14d: {  	_ =	swait.ge [sflag:s24], $0x320  }
0x14e: {  	[sflag:s24] =	ssyncset.done $0x0  }
0x14f: {  	[sflag:s24] =	ssyncadd.s32 $0xFFFFFCE0  }
0x150: {  	_ =	swait.ge [sflag:s24], $0x320  }
0x151: {  	[sflag:s24] =	ssyncset.done $0x0  }
0x152: {  	[sflag:s24] =	ssyncadd.s32 $0xFFFFFCE0  }
0x153: {  	_ =	swait.ge [sflag:s24], $0x320  }
0x154: {  	[sflag:s24] =	ssyncset.done $0x0  }
0x155: {  	[sflag:s24] =	ssyncadd.s32 $0xFFFFFCE0  }
0x156: {  	_ =	swait.ge [sflag:s24], $0x320  }
0x157: {  	[sflag:s24] =	ssyncset.done $0x0  }
0x158: {  	[sflag:s24] =	ssyncadd.s32 $0xFFFFFCE0  }
0x159: {  	_ =	swait.ge [sflag:s24], $0x320  }
0x15a: {  	[sflag:s24] =	ssyncset.done $0x0  }
0x15b: {  	[sflag:s24] =	ssyncadd.s32 $0xFFFFFCE0  }
0x15c: {  	_ =	swait.ge [sflag:s24], $0x320  }
0x15d: {  	p0 =	seq.s32 s28, $0x7C;
	[sflag:s24] =	ssyncset.done $0x0;
	s1 =	rddreg [dreg:$0x12]  }
0x15e: {  	s1 =	sadd.s32 @!p0 s29, s1;
	[sflag:s24] =	ssyncadd.s32 $0xFFFFFCE0  }
0x15f: {  	s1 =	sshrl.u32 @!p0 s1, $0x3;
	s3 =	rddreg [dreg:$0x1]  }
0x160: {  	s4 =	simm.s32 @!p0 $0x0;
	s5 =	simm.s32 @!p0 $0x18700;
	s3 =	sadd.s32 @!p0 s3, s1  }
0x161: {  	[tilespmem:s5], [sflag:$0x1] =	stream.linear.gather @!p0 [hbm4b:s3+s4], $0x320, $0x38;
	[tilespmem:$0x1FF30] =	vst v63  }
0x162: {  	s3 =	rddreg [dreg:$0x2]  }
0x163: {  	s5 =	simm.s32 @!p0 $0x18A20;
	s3 =	sadd.s32 @!p0 s3, s1  }
0x164: {  	[tilespmem:s5], [sflag:$0x1] =	stream.linear.gather @!p0 [hbm4b:s3+s4], $0x320, $0x38;
	[tilespmem:$0x1FF30] =	vst v63  }
0x165: {  	s3 =	sadd.s32 @!p0 s22, s1;
	s5 =	simm.s32 @!p0 $0x18D40  }
0x166: {  	[tilespmem:s5], [sflag:$0x1] =	stream.linear.gather @!p0 [hbm4b:s3+s4], $0x320, $0x38;
	[tilespmem:$0x1FF30] =	vst v63  }
0x167: {  	s3 =	sadd.s32 @!p0 s10, s1;
	s5 =	simm.s32 @!p0 $0x19060  }
0x168: {  	[tilespmem:s5], [sflag:$0x1] =	stream.linear.gather @!p0 [hbm4b:s3+s4], $0x320, $0x38;
	[tilespmem:$0x1FF30] =	vst v63  }
0x169: {  	s3 =	sadd.s32 @!p0 s11, s1;
	s5 =	simm.s32 @!p0 $0x19380  }
0x16a: {  	[tilespmem:s5], [sflag:$0x1] =	stream.linear.gather @!p0 [hbm4b:s3+s4], $0x320, $0x38;
	[tilespmem:$0x1FF30] =	vst v63  }
0x16b: {  	s17 =	simm.s32 $0x19D00;
	s1 =	sadd.s32 @!p0 s12, s1;
	s3 =	simm.s32 @!p0 $0x196A0  }
0x16c: {  	[tilespmem:s3], [sflag:$0x1] =	stream.linear.gather @!p0 [hbm4b:s1+s4], $0x320, $0x38;
	[tilespmem:$0x1FF30] =	vst v63  }
0x16d: {  	s21 =	simm.s32 $0x199E0;
	v0 =	vld [tilespmem:s17+$0xFFFFFFE0]  }
0x16e: {  	v1 =	vld [tilespmem:s21+$0xFFFFFFE0]  }
0x16f: {  	v2 =	vld [tilespmem:s21+$0xFFFFFFF0]  }
0x170: {  	v3 =	vld [tilespmem:s17+$0xFFFFFFF0];
	_ =	sdelay $0x1  }
0x171: {  	v4 =	vld [tilespmem:s21+$0x0]  }
0x172: {  	v5 =	vld [tilespmem:s21+$0x10]  }
0x173: {  	v6 =	vld [tilespmem:s17+$0x0]  }
0x174: {  	v9 =	vld.idx.msk [tilespmem:v0+s9+$0x0], $0xffff  }
0x175: {  	v0 =	vld.idx.msk [tilespmem:v1+s9+$0x0], $0xffff  }
0x176: {  	v1 =	vld.idx.msk [tilespmem:v2+s9+$0x0], $0xffff  }
0x177: {  	s25 =	simm.s32 $0x1A020;
	v7 =	vld.idx.msk [tilespmem:v3+s9+$0x0], $0xffff  }
0x178: {  	v2 =	vld [tilespmem:s25+$0xFFFFFFE0]  }
0x179: {  	v3 =	vld [tilespmem:s17+$0x10]  }
0x17a: {  	v11 =	vld [tilespmem:s25+$0xFFFFFFF0]  }
0x17b: {  	v4 =	vld.idx.msk [tilespmem:v4+s9+$0x0], $0xffff;
	v8 =	vshll.u32 v9, $0x10;
	v0 =	vshll.u32 v0, $0x10  }
0x17c: {  	v10 =	vld.idx.msk [tilespmem:v6+s9+$0x0], $0xffff;
	v0 =	vmul.f32 v8, v0  }
0x17d: {  	v1 =	vshll.u32 v1, $0x10;
	v8 =	vshll.u32 v7, $0x10  }
0x17e: {  	v1 =	vmul.f32 v8, v1;
	v0 =	vmul.f32 v0, v2;
	_ =	sdelay $0x1  }
0x17f: {  	v13 =	vld [tilespmem:s25+$0x0];
	v1 =	vmul.f32 v1, v11;
	v6 =	vshrl.u32 v0, $0x1;
	v12 =	vmul.f32 $5.000000000e-01, v0  }
0x180: {  	v16 =	vshll.u32 v10, $0x10;
	v8 =	vld.idx.msk [tilespmem:v3+s9+$0x0], $0xffff;
	v3 =	vshll.u32 v4, $0x10;
	v6 =	vsub.s32 $0x5F3759DF, v6  }
0x181: {  	v5 =	vld.idx.msk [tilespmem:v5+s9+$0x0], $0xffff;
	v4 =	vshrl.u32 v1, $0x1;
	v15 =	vmul.f32 $5.000000000e-01, v1;
	v14 =	vmul.f32 v6, v12  }
0x182: {  	v3 =	vmul.f32 v16, v3;
	v4 =	vsub.s32 $0x5F3759DF, v4  }
0x183: {  	v16 =	vmul.f32 v4, v15;
	v14 =	vmul.f32 v6, v14;
	_ =	sdelay $0x1  }
0x184: {  	v17 =	vld [tilespmem:s25+$0x10];
	v16 =	vmul.f32 v4, v16;
	v14 =	vsub.f32 $1.500000000e+00, v14  }
0x185: {  	v5 =	vshll.u32 v5, $0x10;
	v0 =	vmul.f32 v0, v0;
	v3 =	vmul.f32 v3, v13  }
0x186: {  	v18 =	vshll.u32 v8, $0x10;
	v16 =	vsub.f32 $1.500000000e+00, v16;
	v6 =	vmul.f32 v6, v14  }
0x187: {  	v19 =	vmul.f32 $5.000000000e-01, v3;
	v5 =	vmul.f32 v18, v5;
	v14 =	vshrl.u32 v3, $0x1  }
0x188: {  	v14 =	vsub.s32 $0x5F3759DF, v14;
	v4 =	vmul.f32 v4, v16;
	v12 =	vmul.f32 v6, v12  }
0x189: {  	v5 =	vmul.f32 v5, v17;
	v18 =	vmul.f32 v14, v19  }
0x18a: {  	v15 =	vmul.f32 v4, v15;
	v12 =	vmul.f32 v12, v6  }
0x18b: {  	v1 =	vmul.f32 v1, v1;
	v16 =	vmul.f32 v14, v18  }
0x18c: {  	v20 =	vmul.f32 $5.000000000e-01, v5;
	v15 =	vmul.f32 v15, v4;
	v12 =	vsub.f32 $1.500000000e+00, v12  }
0x18d: {  	v3 =	vmul.f32 v3, v3;
	v18 =	vshrl.u32 v5, $0x1;
	v16 =	vsub.f32 $1.500000000e+00, v16  }
0x18e: {  	v18 =	vsub.s32 $0x5F3759DF, v18;
	v15 =	vsub.f32 $1.500000000e+00, v15;
	v6 =	vmul.f32 v12, v6  }
0x18f: {  	v12 =	vmul.f32 v18, v20;
	v14 =	vmul.f32 v14, v16  }
0x190: {  	s26 =	simm.s32 $0x19A20;
	v4 =	vmul.f32 v15, v4;
	v0 =	vmul.f32 v6, v0  }
0x191: {  	v15 =	vld [tilespmem:s26+$0xFFFFFFF0];
	v6 =	vmul.f32 v14, v19;
	v12 =	vmul.f32 v18, v12  }
0x192: {  	s29 =	simm.s32 $0x19D40;
	v21 =	vld [tilespmem:s26+$0x0];
	v5 =	vmul.f32 v5, v5;
	v0 =	vmul.f32 $-6.999999880e-01, v0  }
0x193: {  	v16 =	vld [tilespmem:s29+$0xFFFFFFE0];
	v1 =	vmul.f32 v4, v1;
	v4 =	vmul.f32 v6, v14;
	v12 =	vsub.f32 $1.500000000e+00, v12  }
0x194: {  	v19 =	vld [tilespmem:s26+$0x10];
	v6 =	vmul.f32 v2, v2;
	v0 =	vmul.f32 $1.442695020e+00, v0  }
0x195: {  	v22 =	vld [tilespmem:s29+$0x0];
	v1 =	vmul.f32 $-6.999999880e-01, v1;
	v4 =	vsub.f32 $1.500000000e+00, v4;
	v12 =	vmul.f32 v18, v12  }
0x196: {  	v18 =	vld [tilespmem:s26+$0xFFFFFFE0];
	v2 =	vmul.f32 v6, v2;
	(erf) = vpow2.f32 v0  }
0x197: {  	v0 =	vmul.f32 $1.442695020e+00, v1;
	v1 =	vmul.f32 v4, v14;
	v14 =	vld [tilespmem:s29+$0xFFFFFFF0]  }
0x198: {  	v23 =	vld [tilespmem:s29+$0x10];
	v4 =	vmul.f32 v11, v11;
	v20 =	vmul.f32 v12, v20  }
0x199: {  	v6 =	vld.idx.msk [tilespmem:v15+s9+$0x0], $0xffff;
	v15 =	vmul.f32 v13, v13;
	(erf) = vpow2.f32 v0  }
0x19a: {  	v0 =	vmul.f32 v1, v3;
	v3 =	vmul.f32 v20, v12  }
0x19b: {  	v1 =	vld.idx.msk [tilespmem:v16+s9+$0x0], $0xffff;
	v11 =	vmul.f32 v4, v11;
	v16 =	vmul.f32 v17, v17  }
0x19c: {  	v4 =	vld.idx.msk [tilespmem:v19+s9+$0x0], $0xffff;
	(erf) = vrcp.f32 v2;
	v0 =	vmul.f32 $-6.999999880e-01, v0;
	v3 =	vsub.f32 $1.500000000e+00, v3  }
0x19d: {  	v19 =	vld.idx.msk [tilespmem:v21+s9+$0x0], $0xffff;
	v13 =	vmul.f32 v15, v13;
	v15 =	vmul.f32 v16, v17  }
0x19e: {  	v2 =	vmul.f32 $1.442695020e+00, v0;
	v12 =	vmul.f32 v3, v12;
	v16 =	vld.idx.msk [tilespmem:v18+s9+$0x0], $0xffff  }
0x19f: {  	v9 =	vand.u32 $0xFFFF0000, v9;
	v6 =	vshll.u32 v6, $0x10;
	v3 =	vld.idx.msk [tilespmem:v14+s9+$0x0], $0xffff  }
0x1a0: {  	v0 =	vld.idx.msk [tilespmem:v22+s9+$0x0], $0xffff;
	v5 =	vmul.f32 v12, v5;
	v12 =	vshll.u32 v1, $0x10;
	v17 =	vpop (erf);
	(erf) = vpow2.f32 v2  }
0x1a1: {  	s3 =	simm.s32 $0x1A060;
	v2 =	vld.idx.msk [tilespmem:v23+s9+$0x0], $0xffff;
	v14 =	vsub.f32 $1.000000000e+00, v17;
	v17 =	vshll.u32 v4, $0x10;
	(erf) = vrcp.f32 v15  }
0x1a2: {  	v15 =	vmul.f32 $-6.999999880e-01, v5;
	v5 =	vld [tilespmem:s3+$0xFFFFFFF0];
	v4 =	vpop (erf);
	(erf) = vrcp.f32 v13;
	v13 =	vshll.u32 v19, $0x10  }
0x1a3: {  	v9 =	vmul.f32 v9, v14;
	v14 =	vld [tilespmem:s3+$0xFFFFFFE0];
	v18 =	vsub.f32 $1.000000000e+00, v4;
	(erf) = vrcp.f32 v11  }
0x1a4: {  	v4 =	vld [tilespmem:s3+$0x0];
	v11 =	vshll.u32 v16, $0x10;
	v15 =	vmul.f32 $1.442695020e+00, v15;
	v16 =	vshll.u32 v3, $0x10  }
0x1a5: {  	s14 =	simm.s32 $0x1A340;
	v11 =	vmul.f32 v12, v11;
	v12 =	vshll.u32 v0, $0x10;
	v9 =	vmul.f32 $-2.800285220e-01, v9  }
0x1a6: {  	v19 =	vld [tilespmem:s14+$0xFFFFFFE0];
	v16 =	vmul.f32 v16, v6;
	(erf) = vpow2.f32 v15;
	v15 =	vshll.u32 v2, $0x10  }
0x1a7: {  	v6 =	vpop (erf);
	v12 =	vmul.f32 v12, v13;
	v17 =	vmul.f32 v15, v17  }
0x1a8: {  	v6 =	vmul.f32 v9, v6;
	v13 =	vmul.f32 v16, v5  }
0x1a9: {  	v7 =	vand.u32 $0xFFFF0000, v7;
	v11 =	vmul.f32 v11, v14;
	v22 =	vmul.f32 v12, v4  }
0x1aa: {  	v12 =	vmul.f32 v7, v18;
	v9 =	vmul.f32 v14, v14  }
0x1ab: {  	v16 =	vshrl.u32 v13, $0x1;
	v26 =	vmul.f32 $5.000000000e-01, v13;
	v19 =	vmul.f32 v6, v19  }
0x1ac: {  	v7 =	vshrl.u32 v11, $0x1;
	v18 =	vmul.f32 $5.000000000e-01, v11;
	v25 =	vsub.s32 $0x5F3759DF, v16  }
0x1ad: {  	v24 =	vld [tilespmem:s14+$0xFFFFFFF0];
	v21 =	vpop (erf);
	v15 =	vmul.f32 v11, v11;
	v23 =	vsub.s32 $0x5F3759DF, v7;
	v11 =	vmul.f32 v25, v26  }
0x1ae: {  	v27 =	vpop (erf);
	v9 =	vmul.f32 v9, v14;
	v7 =	vld [tilespmem:s3+$0x10];
	v16 =	vmul.f32 v23, v18  }
0x1af: {  	v30 =	vand.u32 $0xFFFF0000, v8;
	s26 =	simm.s32 $0x1ACA0;
	v14 =	vmul.f32 $-2.800285220e-01, v12;
	v12 =	vpop (erf);
	v32 =	vmul.f32 v25, v11  }
0x1b0: {  	s7 =	simm.s32 $0x1A660;
	v20 =	vshrl.u32 v22, $0x1;
	[tilespmem:s26+$0xFFFFFFE0] =	vst v19;
	v28 =	vpop (erf);
	v19 =	vmul.f32 v23, v16;
	v16 =	vmul.f32 $5.000000000e-01, v22  }
0x1b1: {  	v20 =	vsub.s32 $0x5F3759DF, v20;
	v29 =	vld [tilespmem:s7+$0xFFFFFFE0];
	v31 =	vpop (erf);
	v8 =	vmul.f32 v14, v28;
	v22 =	vmul.f32 v22, v22  }
0x1b2: {  	v14 =	vsub.f32 $1.000000000e+00, v31;
	v19 =	vsub.f32 $1.500000000e+00, v19;
	v28 =	vmul.f32 v20, v16  }
0x1b3: {  	v11 =	vmul.f32 v17, v7;
	v17 =	vsub.f32 $1.500000000e+00, v32;
	v31 =	vmul.f32 v8, v24  }
0x1b4: {  	v14 =	vmul.f32 v30, v14;
	v24 =	vmul.f32 v23, v19  }
0x1b5: {  	v30 =	vmul.f32 v20, v28;
	v19 =	vsub.f32 $1.000000000e+00, v21;
	v25 =	vmul.f32 v25, v17  }
0x1b6: {  	v10 =	vand.u32 $0xFFFF0000, v10;
	v17 =	vmul.f32 v6, v29;
	v28 =	vmul.f32 v24, v18  }
0x1b7: {  	s16 =	simm.s32 $0x1AFC0;
	[tilespmem:s26+$0xFFFFFFF0] =	vst v31;
	v23 =	vld [tilespmem:s14+$0x10];
	v18 =	vmul.f32 $5.000000000e-01, v11;
	v63 =	vmul.f32 v10, v19  }
0x1b8: {  	s13 =	simm.s32 $0x1B320;
	v21 =	vshrl.u32 v11, $0x1;
	v10 =	vmul.f32 $-2.800285220e-01, v14;
	v26 =	vmul.f32 v25, v26;
	[tilespmem:s16+$0xFFFFFFE0] =	vst v17;
	v17 =	vld [tilespmem:s7+$0xFFFFFFF0]  }
0x1b9: {  	s8 =	simm.s32 $0x19A60;
	s15 =	simm.s32 $0x1B000;
	s17 =	simm.s32 $0x1A980;
	v21 =	vsub.s32 $0x5F3759DF, v21;
	v19 =	vmul.f32 v5, v5;
	v31 =	vmul.f32 v28, v24  }
0x1ba: {  	s5 =	simm.s32 $0x1ACA0;
	s1 =	simm.s32 $0x1A9C0;
	s4 =	simm.s32 $0x1A6A0;
	v29 =	vsub.f32 $1.500000000e+00, v30;
	v14 =	vld [tilespmem:s17+$0xFFFFFFE0];
	v28 =	vmul.f32 v21, v18;
	v10 =	vmul.f32 v10, v27  }
0x1bb: {  	s6 =	simm.s32 $0x4;
	s21 =	simm.s32 $0x19D80;
	s25 =	simm.s32 $0x1B2E0;
	v27 =	vmul.f32 $-2.800285220e-01, v63;
	v30 =	vsub.f32 $1.500000000e+00, v31;
	v31 =	vmul.f32 v26, v25;
	v26 =	vld [tilespmem:s14+$0x0]  }
.LBB2_7:
0x1bc: {  	v32 =	vld [tilespmem:s21+$0xFFFFFFE0];
	s6 =	sadd.s32 $0x4, s6;
	v20 =	vmul.f32 v20, v29;
	v23 =	vmul.f32 v10, v23;
	s14 =	sadd.s32 $0x40, s14;
	s26 =	sadd.s32 $0x40, s26  }
0x1bd: {  	v13 =	vmul.f32 v13, v13;
	v29 =	vld [tilespmem:s8+$0xFFFFFFF0];
	p0 =	slt.u32 s6, $0x2C;
	v31 =	vsub.f32 $1.500000000e+00, v31;
	v17 =	vmul.f32 v8, v17  }
0x1be: {  	v24 =	vmul.f32 v30, v24;
	v12 =	vmul.f32 v27, v12;
	v33 =	vld [tilespmem:s8+$0x0];
	[tilespmem:s5+$0x10] =	vst v23  }
0x1bf: {  	v6 =	vmul.f32 v6, v14;
	v23 =	vmul.f32 v31, v25;
	[tilespmem:s16+$0xFFFFFFF0] =	vst v17;
	v14 =	vld [tilespmem:s7+$0x10]  }
0x1c0: {  	v15 =	vmul.f32 v24, v15;
	v17 =	vld [tilespmem:s17+$0xFFFFFFF0];
	v24 =	vmul.f32 v12, v26  }
0x1c1: {  	v16 =	vmul.f32 v20, v16;
	v25 =	vld [tilespmem:s8+$0xFFFFFFE0];
	v13 =	vmul.f32 v23, v13;
	[tilespmem:s25+$0xFFFFFFE0] =	vst v6  }
0x1c2: {  	v15 =	vmul.f32 $-6.999999880e-01, v15;
	v23 =	vmul.f32 v21, v28;
	v6 =	vld [tilespmem:s8+$0x10];
	[tilespmem:s5+$0x0] =	vst v24;
	s5 =	smov.u32 s26  }
0x1c3: {  	v16 =	vmul.f32 v16, v20;
	v13 =	vmul.f32 $-6.999999880e-01, v13;
	v24 =	vld [tilespmem:s7+$0x0];
	s7 =	smov.u32 s4  }
0x1c4: {  	v15 =	vmul.f32 $1.442695020e+00, v15;
	v23 =	vsub.f32 $1.500000000e+00, v23;
	v26 =	vld [tilespmem:s21+$0x10];
	v14 =	vmul.f32 v10, v14  }
0x1c5: {  	v16 =	vsub.f32 $1.500000000e+00, v16;
	v27 =	vld [tilespmem:s21+$0x0];
	v13 =	vmul.f32 $1.442695020e+00, v13;
	v8 =	vmul.f32 v8, v17  }
0x1c6: {  	v21 =	vmul.f32 v21, v23;
	v17 =	vld [tilespmem:s21+$0xFFFFFFF0];
	(erf) = vpow2.f32 v15;
	[tilespmem:s16+$0x10] =	vst v14  }
0x1c7: {  	v14 =	vmul.f32 v16, v20;
	(erf) = vpow2.f32 v13;
	[tilespmem:s25+$0xFFFFFFF0] =	vst v8;
	v8 =	vld [tilespmem:s17+$0x10]  }
0x1c8: {  	s3 =	sadd.s32 $0x40, s3;
	v15 =	vmul.f32 v21, v18;
	v13 =	vld.idx.msk [tilespmem:v29+s9+$0x0], $0xffff;
	v16 =	vmul.f32 v12, v24  }
0x1c9: {  	v5 =	vmul.f32 v19, v5;
	v14 =	vmul.f32 v14, v22;
	v18 =	vld.idx.msk [tilespmem:v32+s9+$0x0], $0xffff  }
0x1ca: {  	v19 =	vmul.f32 v4, v4;
	v15 =	vmul.f32 v15, v21;
	v6 =	vld.idx.msk [tilespmem:v6+s9+$0x0], $0xffff;
	[tilespmem:s16+$0x0] =	vst v16;
	s16 =	smov.u32 s15  }
0x1cb: {  	v20 =	vmul.f32 v7, v7;
	v14 =	vmul.f32 $-6.999999880e-01, v14;
	v16 =	vld.idx.msk [tilespmem:v33+s9+$0x0], $0xffff  }
0x1cc: {  	v23 =	vsub.f32 $1.500000000e+00, v15;
	(erf) = vrcp.f32 v9;
	v9 =	vld [tilespmem:s17+$0x0];
	v8 =	vmul.f32 v10, v8;
	s17 =	smov.u32 s1  }
0x1cd: {  	v19 =	vmul.f32 v19, v4;
	v14 =	vmul.f32 $1.442695020e+00, v14;
	v10 =	vld.idx.msk [tilespmem:v27+s9+$0x0], $0xffff  }
0x1ce: {  	v22 =	vand.u32 $0xFFFF0000, v1;
	v4 =	vmul.f32 v20, v7;
	v23 =	vmul.f32 v23, v21;
	v17 =	vld.idx.msk [tilespmem:v17+s9+$0x0], $0xffff;
	[tilespmem:s25+$0x10] =	vst v8  }
0x1cf: {  	v11 =	vmul.f32 v11, v11;
	v8 =	vshll.u32 v18, $0x10;
	v7 =	vld.idx.msk [tilespmem:v25+s9+$0x0], $0xffff;
	v15 =	vpop (erf);
	(erf) = vpow2.f32 v14  }
0x1d0: {  	v21 =	vshll.u32 v6, $0x10;
	v14 =	vld.idx.msk [tilespmem:v26+s9+$0x0], $0xffff;
	v6 =	vsub.f32 $1.000000000e+00, v15;
	v15 =	vpop (erf);
	(erf) = vrcp.f32 v4  }
0x1d1: {  	v13 =	vshll.u32 v13, $0x10;
	v1 =	vmovc v18;
	v11 =	vmul.f32 v23, v11;
	v9 =	vmul.f32 v12, v9  }
0x1d2: {  	v12 =	vsub.f32 $1.000000000e+00, v15;
	v4 =	vld [tilespmem:s3+$0x0];
	v6 =	vmul.f32 v22, v6;
	(erf) = vrcp.f32 v19  }
0x1d3: {  	v16 =	vshll.u32 v16, $0x10;
	v11 =	vmul.f32 $-6.999999880e-01, v11;
	v15 =	vld [tilespmem:s3+$0xFFFFFFE0];
	(erf) = vrcp.f32 v5;
	[tilespmem:s25+$0x0] =	vst v9;
	s25 =	smov.u32 s13  }
0x1d4: {  	v19 =	vshll.u32 v10, $0x10;
	v9 =	vshll.u32 v17, $0x10;
	v5 =	vld [tilespmem:s3+$0xFFFFFFF0];
	v6 =	vmul.f32 $-2.800285220e-01, v6  }
0x1d5: {  	v16 =	vmul.f32 v19, v16;
	v11 =	vmul.f32 $1.442695020e+00, v11;
	v7 =	vshll.u32 v7, $0x10;
	v18 =	vpop (erf)  }
0x1d6: {  	v19 =	vmul.f32 v8, v7;
	v8 =	vshll.u32 v14, $0x10;
	v6 =	vmul.f32 v6, v18  }
0x1d7: {  	v9 =	vmul.f32 v9, v13;
	v18 =	vld [tilespmem:s14+$0xFFFFFFE0];
	(erf) = vpow2.f32 v11  }
0x1d8: {  	v20 =	vand.u32 $0xFFFF0000, v3;
	v22 =	vmul.f32 v16, v4;
	v11 =	vmul.f32 v19, v15;
	v7 =	vpop (erf)  }
0x1d9: {  	v16 =	vmul.f32 v20, v12;
	v13 =	vmul.f32 v9, v5;
	v19 =	vsub.f32 $1.000000000e+00, v7;
	v26 =	vpop (erf)  }
0x1da: {  	v3 =	vmovc v17;
	v9 =	vmul.f32 v15, v15;
	v7 =	vshrl.u32 v11, $0x1;
	v23 =	vmul.f32 $5.000000000e-01, v11  }
0x1db: {  	v20 =	vshrl.u32 v22, $0x1;
	v17 =	vshrl.u32 v13, $0x1;
	v27 =	vmul.f32 $5.000000000e-01, v13;
	v12 =	vpop (erf)  }
0x1dc: {  	v20 =	vsub.s32 $0x5F3759DF, v20;
	v24 =	vsub.s32 $0x5F3759DF, v7;
	v18 =	vmul.f32 v6, v18;
	v25 =	vpop (erf)  }
0x1dd: {  	v28 =	vmul.f32 $-2.800285220e-01, v16;
	v9 =	vmul.f32 v9, v15;
	v17 =	vsub.s32 $0x5F3759DF, v17;
	v7 =	vld [tilespmem:s3+$0x10]  }
0x1de: {  	v21 =	vmul.f32 v8, v21;
	v16 =	vmul.f32 v24, v23;
	[tilespmem:s26+$0xFFFFFFE0] =	vst v18;
	v18 =	vld [tilespmem:s14+$0xFFFFFFF0]  }
0x1df: {  	v30 =	vand.u32 $0xFFFF0000, v0;
	v0 =	vmovc v10;
	v15 =	vmul.f32 v11, v11;
	v8 =	vmul.f32 v17, v27  }
0x1e0: {  	v31 =	vand.u32 $0xFFFF0000, v2;
	v10 =	vmul.f32 v24, v16;
	v16 =	vmul.f32 $5.000000000e-01, v22;
	v29 =	vld [tilespmem:s4+$0xFFFFFFE0];
	v2 =	vpop (erf)  }
0x1e1: {  	v32 =	vmul.f32 v17, v8;
	v8 =	vmul.f32 v28, v25;
	v25 =	vsub.f32 $1.000000000e+00, v2;
	v2 =	vmovc v14  }
0x1e2: {  	v10 =	vsub.f32 $1.500000000e+00, v10;
	v14 =	vmul.f32 v20, v16;
	v11 =	vmul.f32 v21, v7  }
0x1e3: {  	v21 =	vsub.f32 $1.500000000e+00, v32;
	v18 =	vmul.f32 v8, v18;
	v28 =	vmul.f32 v31, v25  }
0x1e4: {  	v24 =	vmul.f32 v24, v10;
	v10 =	vmul.f32 v20, v14;
	v14 =	vshrl.u32 v11, $0x1  }
0x1e5: {  	v25 =	vmul.f32 v17, v21;
	v21 =	vsub.s32 $0x5F3759DF, v14;
	v14 =	vmul.f32 v6, v29;
	[tilespmem:s26+$0xFFFFFFF0] =	vst v18  }
0x1e6: {  	v17 =	vmul.f32 v24, v23;
	v29 =	vsub.f32 $1.500000000e+00, v10;
	v18 =	vmul.f32 $5.000000000e-01, v11  }
.Ltmp2:
0x1e7: {  	v32 =	vmul.f32 v30, v19;
	v10 =	vmul.f32 $-2.800285220e-01, v28;
	[tilespmem:s15+$0xFFFFFFE0] =	vst v14;
	v23 =	vld [tilespmem:s14+$0x10];
	(pc) =	sbr.rel @p0 .LBB2_7-.Ltmp2, $4  }
0x1e8: {  	v30 =	vmul.f32 v17, v24;
	v27 =	vmul.f32 v25, v27;
	v17 =	vld [tilespmem:s4+$0xFFFFFFF0]  }
0x1e9: {  	v19 =	vmul.f32 v5, v5;
	v28 =	vmul.f32 v21, v18;
	v14 =	vld [tilespmem:s1+$0xFFFFFFE0]  }
0x1ea: {  	s13 =	sadd.s32 $0x40, s13;
	v22 =	vmul.f32 v22, v22;
	v10 =	vmul.f32 v10, v26;
	s15 =	sadd.s32 $0x40, s15;
	s1 =	sadd.s32 $0x40, s1  }
0x1eb: {  	s8 =	sadd.s32 $0x40, s8;
	s21 =	sadd.s32 $0x40, s21;
	v30 =	vsub.f32 $1.500000000e+00, v30;
	v31 =	vmul.f32 v27, v25;
	v27 =	vmul.f32 $-2.800285220e-01, v32;
	s4 =	sadd.s32 $0x40, s4;
	v26 =	vld [tilespmem:s14+$0x0]  }
0x1ec: {  	v20 =	vmul.f32 v20, v29;
	v28 =	vmul.f32 v21, v28  }
0x1ed: {  	v58 =	vsub.f32 $1.500000000e+00, v31;
	v24 =	vmul.f32 v30, v24  }
0x1ee: {  	v13 =	vmul.f32 v13, v13;
	v16 =	vmul.f32 v20, v16;
	v28 =	vsub.f32 $1.500000000e+00, v28  }
0x1ef: {  	v25 =	vmul.f32 v58, v25;
	v15 =	vmul.f32 v24, v15  }
0x1f0: {  	v16 =	vmul.f32 v16, v20;
	v59 =	vmul.f32 v21, v28  }
0x1f1: {  	v13 =	vmul.f32 v25, v13;
	v15 =	vmul.f32 $-6.999999880e-01, v15  }
0x1f2: {  	v16 =	vsub.f32 $1.500000000e+00, v16;
	v18 =	vmul.f32 v59, v18  }
0x1f3: {  	v13 =	vmul.f32 $-6.999999880e-01, v13;
	v15 =	vmul.f32 $1.442695020e+00, v15  }
0x1f4: {  	v16 =	vmul.f32 v16, v20;
	v18 =	vmul.f32 v18, v59  }
0x1f5: {  	v62 =	vmul.f32 v4, v4;
	v13 =	vmul.f32 $1.442695020e+00, v13  }
0x1f6: {  	(erf) = vpow2.f32 v15;
	v60 =	vmul.f32 v16, v22;
	v61 =	vsub.f32 $1.500000000e+00, v18  }
0x1f7: {  	v11 =	vmul.f32 v11, v11;
	(erf) = vpow2.f32 v13  }
0x1f8: {  	v15 =	vmul.f32 $-6.999999880e-01, v60;
	v13 =	vmul.f32 v61, v59  }
0x1f9: {  	v63 =	vmul.f32 v7, v7;
	v4 =	vmul.f32 v62, v4  }
0x1fa: {  	v20 =	vmul.f32 $1.442695020e+00, v15;
	v11 =	vmul.f32 v13, v11  }
0x1fb: {  	v7 =	vmul.f32 v63, v7;
	(erf) = vrcp.f32 v9  }
0x1fc: {  	(erf) = vpow2.f32 v20;
	v21 =	vmul.f32 $-6.999999880e-01, v11  }
0x1fd: {  	v5 =	vmul.f32 v19, v5;
	(erf) = vrcp.f32 v7  }
0x1fe: {  	(erf) = vrcp.f32 v4;
	v22 =	vmul.f32 $1.442695020e+00, v21  }
0x1ff: {  	(erf) = vrcp.f32 v5  }
0x200: {  	(erf) = vpow2.f32 v22;
	_ =	sdelay $0x1  }
0x201: {  	v24 =	vpop (erf)  }
0x202: {  	v25 =	vpop (erf)  }
0x203: {  	v28 =	vpop (erf)  }
0x204: {  	v29 =	vpop (erf)  }
0x205: {  	v30 =	vpop (erf)  }
0x206: {  	v32 =	vmul.f32 v10, v23;
	v1 =	vand.u32 $0xFFFF0000, v1;
	v4 =	vsub.f32 $1.000000000e+00, v24;
	v31 =	vpop (erf)  }
0x207: {  	v3 =	vand.u32 $0xFFFF0000, v3;
	v12 =	vmul.f32 v27, v12;
	v5 =	vsub.f32 $1.000000000e+00, v25;
	v33 =	vpop (erf)  }
0x208: {  	s3 =	sadd.s32 $0x40, s14;
	v0 =	vand.u32 $0xFFFF0000, v0;
	v1 =	vmul.f32 v1, v4;
	v38 =	vsub.f32 $1.000000000e+00, v29;
	v35 =	vpop (erf)  }
0x209: {  	v37 =	vld [tilespmem:s3+$0xFFFFFFE0];
	v34 =	vmul.f32 v12, v26;
	v3 =	vmul.f32 v3, v5;
	v36 =	vsub.f32 $1.000000000e+00, v35  }
0x20a: {  	v2 =	vand.u32 $0xFFFF0000, v2;
	v39 =	vld [tilespmem:s3+$0xFFFFFFF0];
	v1 =	vmul.f32 $-2.800285220e-01, v1;
	v0 =	vmul.f32 v0, v38  }
0x20b: {  	v41 =	vld [tilespmem:s3+$0x0];
	v3 =	vmul.f32 $-2.800285220e-01, v3;
	v2 =	vmul.f32 v2, v36  }
0x20c: {  	v40 =	vld [tilespmem:s3+$0x10];
	v1 =	vmul.f32 v1, v28;
	v0 =	vmul.f32 $-2.800285220e-01, v0  }
0x20d: {  	v3 =	vmul.f32 v3, v33;
	v2 =	vmul.f32 $-2.800285220e-01, v2  }
0x20e: {  	[tilespmem:s5+$0x10] =	vst v32;
	v7 =	vmul.f32 v1, v37;
	v0 =	vmul.f32 v0, v31  }
0x20f: {  	s29 =	sadd.s32 $0x40, s26;
	v42 =	vld [tilespmem:s7+$0x10];
	[tilespmem:s5+$0x0] =	vst v34;
	v9 =	vmul.f32 v3, v39;
	v2 =	vmul.f32 v2, v30  }
0x210: {  	v43 =	vld [tilespmem:s7+$0x0];
	[tilespmem:s29+$0xFFFFFFE0] =	vst v7;
	v5 =	vmul.f32 v0, v41  }
0x211: {  	v7 =	vld [tilespmem:s4+$0xFFFFFFE0];
	[tilespmem:s29+$0xFFFFFFF0] =	vst v9;
	v4 =	vmul.f32 v2, v40  }
0x212: {  	v9 =	vld [tilespmem:s4+$0xFFFFFFF0];
	[tilespmem:s29+$0x0] =	vst v5  }
0x213: {  	v44 =	vmul.f32 v8, v17;
	v47 =	vld [tilespmem:s4+$0x0];
	[tilespmem:s29+$0x10] =	vst v4  }
0x214: {  	v46 =	vmul.f32 v10, v42;
	v45 =	vld [tilespmem:s4+$0x10]  }
0x215: {  	[tilespmem:s16+$0xFFFFFFF0] =	vst v44;
	v48 =	vmul.f32 v12, v43  }
0x216: {  	v49 =	vld [tilespmem:s17+$0xFFFFFFF0];
	[tilespmem:s16+$0x10] =	vst v46;
	v50 =	vmul.f32 v1, v7  }
0x217: {  	v51 =	vld [tilespmem:s17+$0x10];
	[tilespmem:s16+$0x0] =	vst v48;
	v52 =	vmul.f32 v3, v9  }
0x218: {  	v53 =	vld [tilespmem:s17+$0x0];
	[tilespmem:s15+$0xFFFFFFE0] =	vst v50;
	v56 =	vmul.f32 v0, v47  }
0x219: {  	v55 =	vld [tilespmem:s1+$0xFFFFFFE0];
	[tilespmem:s15+$0xFFFFFFF0] =	vst v52;
	v54 =	vmul.f32 v2, v45  }
0x21a: {  	v6 =	vmul.f32 v6, v14;
	v57 =	vld [tilespmem:s1+$0xFFFFFFF0];
	[tilespmem:s15+$0x0] =	vst v56  }
0x21b: {  	v58 =	vmul.f32 v8, v49;
	v61 =	vld [tilespmem:s1+$0x0];
	[tilespmem:s15+$0x10] =	vst v54  }
0x21c: {  	[tilespmem:s25+$0xFFFFFFE0] =	vst v6;
	v60 =	vmul.f32 v10, v51;
	v59 =	vld [tilespmem:s1+$0x10]  }
0x21d: {  	[tilespmem:s25+$0xFFFFFFF0] =	vst v58;
	v62 =	vmul.f32 v12, v53  }
0x21e: {  	[tilespmem:s25+$0x10] =	vst v60;
	v1 =	vmul.f32 v1, v55  }
0x21f: {  	[tilespmem:s25+$0x0] =	vst v62;
	v3 =	vmul.f32 v3, v57  }
0x220: {  	[tilespmem:s13+$0xFFFFFFE0] =	vst v1;
	v0 =	vmul.f32 v0, v61  }
0x221: {  	[tilespmem:s13+$0xFFFFFFF0] =	vst v3;
	v63 =	vmul.f32 v2, v59  }
0x222: {  	[tilespmem:s13+$0x0] =	vst v0  }
0x223: {  	s1 =	simm.s32 $0xC00;
	[tilespmem:s13+$0x10] =	vst v63  }
.LBB2_9:
0x224: {  	s3 =	sshra.s32 s1, $0x2  }
0x225: {  	v0 =	vld [tilespmem:s3+$0x199C0]  }
0x226: {  	v1 =	vld [tilespmem:s3+$0x19CE0];
	_ =	sdelay $0x6  }
0x227: {  	v0 =	vld.idx.msk [tilespmem:v0+s9+$0x0], $0xffff  }
0x228: {  	v1 =	vld.idx.msk [tilespmem:v1+s9+$0x0], $0xffff;
	_ =	sdelay $0x2  }
0x229: {  	v2 =	vld [tilespmem:s3+$0x1A000];
	_ =	sdelay $0x1  }
0x22a: {  	v0 =	vshll.u32 v0, $0x10;
	v3 =	vshll.u32 v1, $0x10  }
0x22b: {  	v0 =	vmul.f32 v3, v0;
	_ =	sdelay $0x1  }
0x22c: {  	v0 =	vmul.f32 v0, v2;
	_ =	sdelay $0x1  }
0x22d: {  	v57 =	vshrl.u32 v0, $0x1;
	v4 =	vmul.f32 $5.000000000e-01, v0  }
0x22e: {  	v3 =	vsub.s32 $0x5F3759DF, v57  }
0x22f: {  	v5 =	vmul.f32 v3, v4;
	_ =	sdelay $0x1  }
0x230: {  	v5 =	vmul.f32 v3, v5;
	_ =	sdelay $0x1  }
0x231: {  	v5 =	vsub.f32 $1.500000000e+00, v5;
	_ =	sdelay $0x1  }
0x232: {  	v3 =	vmul.f32 v3, v5;
	_ =	sdelay $0x1  }
0x233: {  	v4 =	vmul.f32 v3, v4;
	_ =	sdelay $0x1  }
0x234: {  	v4 =	vmul.f32 v4, v3;
	_ =	sdelay $0x1  }
0x235: {  	v4 =	vsub.f32 $1.500000000e+00, v4;
	_ =	sdelay $0x1  }
0x236: {  	v0 =	vmul.f32 v0, v0;
	v3 =	vmul.f32 v4, v3;
	_ =	sdelay $0x1  }
0x237: {  	v0 =	vmul.f32 v3, v0;
	_ =	sdelay $0x1  }
0x238: {  	v0 =	vmul.f32 $-6.999999880e-01, v0;
	_ =	sdelay $0x1  }
0x239: {  	v0 =	vmul.f32 $1.442695020e+00, v0;
	_ =	sdelay $0x1  }
0x23a: {  	(erf) = vpow2.f32 v0;
	_ =	sdelay $0x1  }
0x23b: {  	v58 =	vmul.f32 v2, v2;
	_ =	sdelay $0x1  }
0x23c: {  	v0 =	vmul.f32 v58, v2;
	_ =	sdelay $0x1  }
0x23d: {  	(erf) = vrcp.f32 v0;
	_ =	sdelay $0x2  }
0x23e: {  	v59 =	vpop (erf)  }
0x23f: {  	v0 =	vsub.f32 $1.000000000e+00, v59  }
0x240: {  	v1 =	vand.u32 $0xFFFF0000, v1  }
0x241: {  	v0 =	vmul.f32 v1, v0  }
0x242: {  	v60 =	vld [tilespmem:s3+$0x1A320]  }
0x243: {  	v61 =	vld [tilespmem:s3+$0x1A640];
	v0 =	vmul.f32 $-2.800285220e-01, v0  }
0x244: {  	v63 =	vld [tilespmem:s3+$0x1A960];
	v62 =	vpop (erf)  }
0x245: {  	v0 =	vmul.f32 v0, v62  }
0x246: {  	p0 =	sne.s32 s1, $0xC40  }
.Ltmp3:
0x247: {  	v1 =	vmul.f32 v0, v60;
	(pc) =	sbr.rel @p0 .LBB2_9-.Ltmp3, $4  }
0x248: {  	v2 =	vmul.f32 v0, v61  }
0x249: {  	v0 =	vmul.f32 v0, v63;
	[tilespmem:s3+$0x1AC80] =	vst v1  }
0x24a: {  	[tilespmem:s3+$0x1AFA0] =	vst v2  }
0x24b: {  	s1 =	sadd.s32 $0x40, s1;
	[tilespmem:s3+$0x1B2C0] =	vst v0  }
0x24c: {  	s1 =	rddreg [dreg:$0x5]  }
0x24d: {  	[spmem:s1] =	stream.indirect.scatter.add.f32 [tilespmem:s19], [sflag:$0x3], $0x1, s2, s18, $0xb8;
	[tilespmem:$0x1FF30] =	vst v63  }
0x24e: {  	_ =	swait.ge [sflag:s30], $0x320  }
0x24f: {  	[sflag:s30] =	ssyncset.done $0x0  }
0x250: {  	[sflag:s30] =	ssyncadd.s32 $0xFFFFFCE0  }
0x251: {  	s26 =	rddreg [dreg:$0x6]  }
0x252: {  	[spmem:s26] =	stream.indirect.scatter.add.f32 [tilespmem:s20], [sflag:$0x3], $0x1, s2, s18, $0xb8;
	[tilespmem:$0x1FF30] =	vst v63  }
0x253: {  	_ =	swait.ge [sflag:s30], $0x320  }
0x254: {  	s28 =	sadd.s32 $0x1, s28;
	[sflag:s30] =	ssyncset.done $0x0  }
0x255: {  	p0 =	sne.s32 s28, $0x7D;
	[sflag:s30] =	ssyncadd.s32 $0xFFFFFCE0  }
.Ltmp4:
0x256: {  	s29 =	rddreg [dreg:$0x7];
	(pc) =	sbr.rel @p0 .LBB2_2-.Ltmp4, $4  }
0x257: {  	[spmem:s29] =	stream.indirect.scatter.add.f32 [tilespmem:s23], [sflag:$0x3], $0x1, s2, s18, $0xb8;
	[tilespmem:$0x1FF30] =	vst v63  }
0x258: {  	_ =	swait.ge [sflag:s30], $0x320  }
0x259: {  	[sflag:s30] =	ssyncset.done $0x0  }
0x25a: {  	[sflag:s30] =	ssyncadd.s32 $0xFFFFFCE0  }
0x25b: {  	[bflag:$0x0] =	sbarrier.arrive $0xFFFF  }
0x25c: {  	s1 =	rddreg [dreg:$0x14]  }
0x25d: {  	s3 =	rddreg [dreg:$0x1a]  }
0x25e: {  	s4 =	rddreg [dreg:$0x1b]  }
0x25f: {  	[hbm:s1], [sflag:s3] =	dma.local [spmem:s4], $0x30E  }
0x260: {  	_ =	swait.ge [sflag:s30], $0x30E  }
0x261: {  	[sflag:s30] =	ssyncset.done $0x0;
	s17 =	rddreg [dreg:$0x16]  }
0x262: {  	s21 =	rddreg [dreg:$0x1c];
	[sflag:s30] =	ssyncadd.s32 $0xFFFFFCF2  }
0x263: {  	[hbm:s17], [sflag:s3] =	dma.local [spmem:s21], $0x30E  }
0x264: {  	_ =	swait.ge [sflag:s30], $0x30E  }
0x265: {  	[sflag:s30] =	ssyncset.done $0x0;
	s25 =	rddreg [dreg:$0x17]  }
0x266: {  	s26 =	rddreg [dreg:$0x1d];
	[sflag:s30] =	ssyncadd.s32 $0xFFFFFCF2  }
0x267: {  	[hbm:s25], [sflag:s3] =	dma.local [spmem:s26], $0x30E  }
0x268: {  	_ =	swait.ge [sflag:s30], $0x30E  }
0x269: {  	s28 =	rddreg [dreg:$0x19]  }
0x26a: {  	s29 =	rddreg [dreg:$0x18];
	s3 =	sadd.s32 $0x1, s28  }
0x26b: {  	p0 =	sne.s32 s3, s29  }
.Ltmp5:
0x26c: {  	_ = 	snop;
	(pc) =	sbr.rel @p0 .LBB2_1-.Ltmp5, $3  }
0x26d: {  	_ =	sdelay $0x1  }
0x26e: {  	[sflag:s30] =	ssyncset.done $0x0  }
0x26f: {  	[sflag:s30] =	ssyncadd.s32 $0xFFFFFCF2  }
0x270: {  	_ =	sfence.sel $0x180000  }
0x271: {  	[bflag:$0x0] =	sbarrier.arrive $0xFFFF  }
0x272: {  	_ =	strace $0x90000047  }
0x273: {  	s0 =	stileid.u32;
	[bflag:$0x2] =	sbarrier.arrive $0xFFFF  }
0x274: {  	p0 =	sne.s32 s0, $0x0;
	s0 =	rddreg [dreg:$0x8]  }
0x275: {  	s0 =	sadd.s32 @!p0 $0x100000, s0  }
0x276: {  	[sflag:s0] =	ssyncadd.tile.s32 @!p0 $0x1;
	_ =	shalt  }
.Lfunc_end2:
_tile_overlayer_lowered:
.L_overlay_start_2:
0x277: {  	(tag) =	ssettag $0x2  }
0x278: {  	s0 =	rddreg [dreg:$0x0];
	s2 =	stileid.u32  }
0x279: {  	s1 =	rddreg [dreg:$0x1];
	p0 =	sne.s32 s2, $0x0  }
0x27a: {  	s3 =	rddreg [dreg:$0x2];
	[bflag:$0x3] =	sbarrier.arrive $0xFFFF;
	s2 =	simm.s32 @!p0 $0x1C03  }
0x27b: {  	[timem:s3], [sflag:s2] =	dma.local @!p0 [hbm:s0], s1  }
0x27c: {  	s0 =	simm.s32 @!p0 $0x3  }
0x27d: {  	_ =	swait.ge @!p0 [sflag:s0], s1  }
0x27e: {  	s1 =	ssub.s32 @!p0 $0x0, s1;
	[sflag:s0] =	ssyncset.done @!p0 $0x0  }
0x27f: {  	[sflag:s0] =	ssyncadd.s32 @!p0 s1  }
0x280: {  	[bflag:$0x3] =	sbarrier.arrive $0xFFFF  }
0x281: {  	_ =	shalt  }

</sc_bundles>
